<compile_context>
chip_gen: v7x
topology: tpu7x:2x2x1
jax: 0.10.2.dev20260603
libtpu: 0.0.44.dev20260713+nightly
codegen_flags: <defaults>
</compile_context>

<pallas_src>
import functools

import jax
import jax.numpy as jnp
from jax import lax
from jax.experimental import pallas as pl
from jax.experimental.pallas import tpu as pltpu
from jax.experimental.pallas import tpu_sc as plsc

NE = 8
T = 2048
H = 768
ID = 3072
TT = 256
TP = T
IB = 512
NI = ID // IB
NW = 32
RW = T // NW
RP = TP // NW


def _gate_body(x_ref, wg_ref, probs_ref, idx_ref, w_ref):
    x = x_ref[...]
    wg = wg_ref[...]
    logits = lax.dot_general(x, wg, (((1,), (1,)), ((), ())),
                             preferred_element_type=jnp.float32)
    m = jnp.max(logits, axis=-1, keepdims=True)
    ex = jnp.exp(logits - m)
    probs = ex / jnp.sum(ex, axis=-1, keepdims=True)
    probs_ref[...] = probs
    maxp = jnp.max(probs, axis=-1, keepdims=True)
    w_ref[...] = maxp / (maxp + 1e-9)
    eids = lax.broadcasted_iota(jnp.int32, (T, NE), 1)
    idx_ref[...] = jnp.min(jnp.where(probs == maxp, eids, NE), axis=-1,
                           keepdims=True)


def _gate(x_flat, Wg):
    return pl.pallas_call(
        _gate_body,
        out_shape=[
            jax.ShapeDtypeStruct((T, NE), jnp.float32),
            jax.ShapeDtypeStruct((T, 1), jnp.int32),
            jax.ShapeDtypeStruct((T, 1), jnp.float32),
        ],
    )(x_flat, Wg)


def _sort_body(idx_ref, w_ref, rank_ref, sid_ref, ws_ref, offs_ref):
    idx = idx_ref[...]
    w = w_ref[...]
    eids = lax.broadcasted_iota(jnp.int32, (T, NE), 1)
    onehot = (eids == idx).astype(jnp.float32)

    tcol = lax.broadcasted_iota(jnp.int32, (T, 1), 0)
    trow = lax.broadcasted_iota(jnp.int32, (1, T), 1)
    ltri = (tcol > trow).astype(jnp.bfloat16)
    pos = lax.dot_general(ltri, onehot.astype(jnp.bfloat16),
                          (((1,), (0,)), ((), ())),
                          preferred_element_type=jnp.float32)
    counts = jnp.sum(onehot, axis=0, keepdims=True)
    counts16 = jnp.concatenate(
        [counts, jnp.zeros((1, 16 - NE), jnp.float32)], axis=1)
    li = lax.broadcasted_iota(jnp.int32, (16, 16), 0)
    lj = lax.broadcasted_iota(jnp.int32, (16, 16), 1)
    upper = (li < lj).astype(jnp.bfloat16)
    c_hi = jnp.floor(counts16 / 64.0)
    c_lo = counts16 - c_hi * 64.0
    chl = jnp.concatenate([c_hi, c_lo], axis=0).astype(jnp.bfloat16)
    shl = lax.dot_general(chl, upper, (((1,), (0,)), ((), ())),
                          preferred_element_type=jnp.float32)
    starts16 = shl[0:1, :] * 64.0 + shl[1:2, :]
    offs_ref[...] = starts16.astype(jnp.int32)
    rankf = jnp.sum(onehot * (starts16[:, :NE] + pos), axis=-1, keepdims=True)
    rank_ref[...] = rankf.astype(jnp.int32)

    eye = (tcol == trow).astype(jnp.bfloat16)
    rank_hi = jnp.floor(rankf / 64.0)
    rank_lo = rankf - rank_hi * 64.0
    lhs2 = jnp.concatenate([rank_hi, rank_lo], axis=1).astype(jnp.bfloat16)
    rr2 = lax.dot_general(lhs2, eye, (((0,), (0,)), ((), ())),
                          preferred_element_type=jnp.float32)
    rankrow = rr2[0:1, :] * 64.0 + rr2[1:2, :]

    rcol = lax.broadcasted_iota(jnp.int32, (TP, 1), 0).astype(jnp.float32)
    perm = (rankrow == rcol).astype(jnp.bfloat16)
    t_hi = tcol // 64
    t_lo = tcol - t_hi * 64
    w_hi = w.astype(jnp.bfloat16)
    w_lo = (w - w_hi.astype(jnp.float32)).astype(jnp.bfloat16)
    rhs4 = jnp.concatenate(
        [t_hi.astype(jnp.bfloat16), t_lo.astype(jnp.bfloat16), w_hi, w_lo],
        axis=1)
    res4 = lax.dot_general(perm, rhs4, (((1,), (0,)), ((), ())),
                           preferred_element_type=jnp.float32)
    sid_ref[...] = (res4[:, 0:1] * 64.0 + res4[:, 1:2]).astype(jnp.int32)
    ws_ref[...] = res4[:, 2:3] + res4[:, 3:4]


def _sort(idx, w):
    return pl.pallas_call(
        _sort_body,
        out_shape=[
            jax.ShapeDtypeStruct((T, 1), jnp.int32),
            jax.ShapeDtypeStruct((TP, 1), jnp.int32),
            jax.ShapeDtypeStruct((TP, 1), jnp.float32),
            jax.ShapeDtypeStruct((1, 16), jnp.int32),
        ],
    )(idx, w)


def _router(x_flat, Wg):
    probs, idx, w = _gate(x_flat, Wg)
    rank, sid, ws, offs = _sort(idx, w)
    return probs, rank, sid, ws, offs


@functools.cache
def _make_dispatch():
    mesh = plsc.VectorSubcoreMesh(core_axis_name="c", subcore_axis_name="s")

    @functools.partial(
        pl.kernel,
        mesh=mesh,
        out_type=jax.ShapeDtypeStruct((TP, H), jnp.float32),
        scratch_types=[
            pltpu.VMEM((RP,), jnp.int32),
            pltpu.VMEM((RP, H), jnp.float32),
            pltpu.SemaphoreType.DMA,
        ],
    )
    def dispatch(x_hbm, sid_hbm, xs_hbm, sid_l, rows_v, sem):
        wid = lax.axis_index("s") * 2 + lax.axis_index("c")
        base = wid * RP
        pltpu.sync_copy(sid_hbm.at[pl.ds(base, RP)], sid_l)
        pltpu.async_copy(x_hbm.at[sid_l], rows_v, sem).wait()
        pltpu.sync_copy(rows_v, xs_hbm.at[pl.ds(base, RP)])

    return dispatch


def _ffn_body(offs_ref, ws_ref, xs_ref, w1_ref, b1_ref, w2_ref, b2_ref, out_ref):
    e = pl.program_id(0)
    i = pl.program_id(1)

    @pl.when((e == 0) & (i == 0))
    def _():
        out_ref[...] = jnp.zeros_like(out_ref)

    start = offs_ref[0, e]
    stop = offs_ref[0, e + 1]
    t0 = start // TT
    t1 = (stop + TT - 1) // TT
    w1 = w1_ref[0]
    b1 = b1_ref[0]
    w2 = w2_ref[0]
    b2 = b2_ref[0] * (i == 0).astype(jnp.float32)

    def tile(t, c):
        r0 = t * TT
        xt = xs_ref[pl.ds(r0, TT), :]
        h = jnp.dot(xt, w1, preferred_element_type=jnp.float32) + b1
        h = 0.5 * h * (1.0 + lax.erf(h * 0.7071067811865476))
        contrib = jnp.dot(h, w2, preferred_element_type=jnp.float32) + b2
        rows = r0 + lax.broadcasted_iota(jnp.int32, (TT, 1), 0)
        mask = ((rows >= start) & (rows < stop)).astype(jnp.float32)
        wcol = ws_ref[pl.ds(r0, TT), :]
        out_ref[pl.ds(r0, TT), :] += mask * wcol * contrib
        return c
    lax.fori_loop(t0, t1, tile, 0)


def _ffn(offs, ws2, xs, W1, b1, W2, b2):
    return pl.pallas_call(
        _ffn_body,
        grid=(NE, NI),
        in_specs=[
            pl.BlockSpec((1, 16), lambda e, i: (0, 0), memory_space=pltpu.SMEM),
            pl.BlockSpec((TP, 1), lambda e, i: (0, 0)),
            pl.BlockSpec((TP, H), lambda e, i: (0, 0)),
            pl.BlockSpec((1, H, IB), lambda e, i: (e, 0, i)),
            pl.BlockSpec((1, 1, IB), lambda e, i: (e, 0, i)),
            pl.BlockSpec((1, IB, H), lambda e, i: (e, i, 0)),
            pl.BlockSpec((1, 1, H), lambda e, i: (e, 0, 0)),
        ],
        out_specs=pl.BlockSpec((TP, H), lambda e, i: (0, 0)),
        out_shape=jax.ShapeDtypeStruct((TP, H), jnp.float32),
        compiler_params=pltpu.CompilerParams(
            dimension_semantics=("arbitrary", "arbitrary")),
    )(offs, ws2, xs, W1, b1.reshape(NE, 1, ID), W2, b2.reshape(NE, 1, H))


@functools.cache
def _make_combine():
    mesh = plsc.VectorSubcoreMesh(core_axis_name="c", subcore_axis_name="s")

    @functools.partial(
        pl.kernel,
        mesh=mesh,
        out_type=jax.ShapeDtypeStruct((T, H), jnp.float32),
        scratch_types=[
            pltpu.VMEM((RW,), jnp.int32),
            pltpu.VMEM((RW, H), jnp.float32),
            pltpu.SemaphoreType.DMA,
        ],
    )
    def combine(ys_hbm, rank_hbm, out_hbm, rk_l, rows_v, sem):
        wid = lax.axis_index("s") * 2 + lax.axis_index("c")
        base = wid * RW
        pltpu.sync_copy(rank_hbm.at[pl.ds(base, RW)], rk_l)
        pltpu.async_copy(ys_hbm.at[rk_l], rows_v, sem).wait()
        pltpu.sync_copy(rows_v, out_hbm.at[pl.ds(base, RW)])

    return combine


def kernel(x, Wg, W1, b1, W2, b2):
    Bb, Ss, Hh = x.shape
    x_flat = x.reshape(T, H)
    probs, rank2, sid2, ws, offs = _router(x_flat, Wg)
    rank = rank2.reshape(T)
    sid = sid2.reshape(TP)
    xs = _make_dispatch()(x_flat, sid)
    ys = _ffn(offs, ws, xs, W1, b1, W2, b2)
    out = _make_combine()(ys, rank)
    return out.reshape(Bb, Ss, Hh), probs.reshape(Bb, Ss, NE)

# --- scband reference (transcript-rebuilt; emitter-appended) ---
"""Pipeline reference for scband-mo-elayer-58445914964619 (READ-ONLY COPY).

The authoritative reference and input builder live on the scoring server;
editing this copy changes nothing except your own understanding.
"""

import jax, jax.numpy as jnp
import numpy as np

E = 8
TOP_K = 1
H = 768
I = 3072
B = 1
S = 2048


def setup_inputs(seed: int = 0) -> dict:
    key = jax.random.key(seed)
    ks = jax.random.split(key, 6)
    x = jax.random.normal(ks[0], (B, S, H), dtype=jnp.float32)
    Wg = jax.random.normal(ks[1], (E, H), dtype=jnp.float32) * 0.02
    W1 = jax.random.normal(ks[2], (E, H, I), dtype=jnp.float32) * 0.02
    b1 = jnp.zeros((E, I), dtype=jnp.float32)
    W2 = jax.random.normal(ks[3], (E, I, H), dtype=jnp.float32) * 0.02
    b2 = jnp.zeros((E, H), dtype=jnp.float32)
    return {"x": x, "Wg": Wg, "W1": W1, "b1": b1, "W2": W2, "b2": b2}


def reference(x, Wg, W1, b1, W2, b2):
    # Eval-mode MoELayer.forward: no router noise, dropout = identity.
    Bb, Ss, Hh = x.shape
    x_flat = x.reshape(-1, Hh)
    # GatingNetwork: Linear without bias
    router_logits = x_flat @ Wg.T                     # [T, E]
    router_probs = jax.nn.softmax(router_logits, axis=-1)
    top_k_probs, top_k_indices = jax.lax.top_k(router_probs, TOP_K)
    top_k_probs = top_k_probs / (jnp.sum(top_k_probs, axis=-1, keepdims=True) + 1e-09)
    # Expert FFN outputs computed for all tokens per expert (masked combine below
    # gives math identical to the per-token dispatch loop of the torch module).
    expert_outs = []
    for e in range(E):
        h = jax.nn.gelu(x_flat @ W1[e] + b1[e], approximate=False)  # nn.GELU default (exact)
        expert_outs.append(h @ W2[e] + b2[e])
    output = jnp.zeros_like(x_flat)
    for k in range(TOP_K):
        expert_indices = top_k_indices[:, k]
        expert_weights = top_k_probs[:, k:k + 1]
        for e in range(E):
            mask = (expert_indices == e).astype(x_flat.dtype)[:, None]
            output = output + mask * expert_weights * expert_outs[e]
    output = output.reshape(Bb, Ss, Hh)
    router_probs_out = router_probs.reshape(Bb, Ss, E)
    return (output, router_probs_out)

if __name__ == "__main__":
    import jax
    _d = setup_inputs()
    print(jax.jit(kernel)(*tuple(_d.values())))

</pallas_src>

<mosaic_0001>
#map = affine_map<(d0, d1) -> (0, 0)>
#map1 = affine_map<(d0, d1) -> (0)>
module attributes {stable_mosaic.version = 14 : i64} {
  func.func @combine(%arg0: i32, %arg1: i32, %arg2: memref<2048x768xf32, #tpu.memory_space<hbm>>, %arg3: memref<2048xi32, #tpu.memory_space<hbm>>, %arg4: memref<2048x768xf32, #tpu.memory_space<hbm>>, %arg5: memref<64xi32, #tpu.memory_space<vmem>>, %arg6: memref<64x768xf32, #tpu.memory_space<vmem>>, %arg7: memref<!tpu.dma_semaphore, #tpu.memory_space<semaphore_mem>>) attributes {dimension_semantics = [#tpu.dimension_semantics<core_parallel>, #tpu.dimension_semantics<subcore_parallel>], iteration_bounds = array<i64: 2, 16>, scalar_prefetch = 0 : i64, scratch_operands = 3 : i64, tpu.core_type = #tpu.core_type<sc_vector_subcore>, window_params = [{transform_indices = #map}, {transform_indices = #map1}, {transform_indices = #map}]} {
    %mul3A = arith.constant 2 : i32
    %mul3A_0 = arith.muli %arg1, %mul3A : i32
    %add3A = arith.addi %mul3A_0, %arg0 : i32
    %mul3A_1 = arith.constant 64 : i32
    %mul3A_2 = arith.muli %add3A, %mul3A_1 : i32
    "tpu.region"() ({
      %run_scoped3A = tpu.sem_alloc : memref<!tpu.dma_semaphore, #tpu.memory_space<semaphore_mem>>
      %dma_start3A_7 = tpu.memref_slice %arg3[%mul3A_2] : memref<2048xi32, #tpu.memory_space<hbm>> -> memref<64xi32, #tpu.memory_space<hbm>>
      %dma_start3A_8 = tpu.memref_slice %arg3[%mul3A_2] : memref<2048xi32, #tpu.memory_space<hbm>> -> memref<64xi32, #tpu.memory_space<hbm>>
      tpu.enqueue_dma source(%dma_start3A_8 : memref<64xi32, #tpu.memory_space<hbm>>) target(%arg5 : memref<64xi32, #tpu.memory_space<vmem>>) target_semaphore(%run_scoped3A : memref<!tpu.dma_semaphore, #tpu.memory_space<semaphore_mem>>)
      %dma_wait3A_9 = tpu.memref_slice %arg3[%mul3A_2] : memref<2048xi32, #tpu.memory_space<hbm>> -> memref<64xi32, #tpu.memory_space<hbm>>
      %dma_wait3A_10 = tpu.memref_slice %arg3[%mul3A_2] : memref<2048xi32, #tpu.memory_space<hbm>> -> memref<64xi32, #tpu.memory_space<hbm>>
      tpu.wait_dma2 semaphore(%run_scoped3A : memref<!tpu.dma_semaphore, #tpu.memory_space<semaphore_mem>>) src(%dma_wait3A_10 : memref<64xi32, #tpu.memory_space<hbm>>) dst(%arg5 : memref<64xi32, #tpu.memory_space<vmem>>)
      tpu.yield
    }) : () -> ()
    %dma_start3A = arith.constant 0 : i32
    %dma_start3A_3 = arith.constant 0 : i32
    %dma_start3A_4 = tpu.memref_slice %arg2[%dma_start3A, %dma_start3A_3] : memref<2048x768xf32, #tpu.memory_space<hbm>> -> memref<2048x768xf32, #tpu.memory_space<hbm>>
    tpu.enqueue_indirect_dma source(%dma_start3A_4 : memref<2048x768xf32, #tpu.memory_space<hbm>>) target(%arg6 : memref<64x768xf32, #tpu.memory_space<vmem>>) offsets(%arg5 : memref<64xi32, #tpu.memory_space<vmem>>) semaphore(%arg7 : memref<!tpu.dma_semaphore, #tpu.memory_space<semaphore_mem>>)
    %dma_wait3A = arith.constant 0 : i32
    %dma_wait3A_5 = arith.constant 0 : i32
    %dma_wait3A_6 = tpu.memref_slice %arg2[%dma_wait3A, %dma_wait3A_5] : memref<2048x768xf32, #tpu.memory_space<hbm>> -> memref<2048x768xf32, #tpu.memory_space<hbm>>
    tpu.wait_indirect_dma semaphore(%arg7 : memref<!tpu.dma_semaphore, #tpu.memory_space<semaphore_mem>>) src(%dma_wait3A_6 : memref<2048x768xf32, #tpu.memory_space<hbm>>) dst(%arg6 : memref<64x768xf32, #tpu.memory_space<vmem>>)
    "tpu.region"() ({
      %run_scoped3A = tpu.sem_alloc : memref<!tpu.dma_semaphore, #tpu.memory_space<semaphore_mem>>
      %dma_start3A_7 = arith.constant 0 : i32
      %dma_start3A_8 = tpu.memref_slice %arg4[%mul3A_2, %dma_start3A_7] : memref<2048x768xf32, #tpu.memory_space<hbm>> -> memref<64x768xf32, #tpu.memory_space<hbm>>
      %dma_start3A_9 = arith.constant 0 : i32
      %dma_start3A_10 = tpu.memref_slice %arg4[%mul3A_2, %dma_start3A_9] : memref<2048x768xf32, #tpu.memory_space<hbm>> -> memref<64x768xf32, #tpu.memory_space<hbm>>
      tpu.enqueue_dma source(%arg6 : memref<64x768xf32, #tpu.memory_space<vmem>>) target(%dma_start3A_10 : memref<64x768xf32, #tpu.memory_space<hbm>>) target_semaphore(%run_scoped3A : memref<!tpu.dma_semaphore, #tpu.memory_space<semaphore_mem>>)
      %dma_wait3A_11 = arith.constant 0 : i32
      %dma_wait3A_12 = tpu.memref_slice %arg4[%mul3A_2, %dma_wait3A_11] : memref<2048x768xf32, #tpu.memory_space<hbm>> -> memref<64x768xf32, #tpu.memory_space<hbm>>
      %dma_wait3A_13 = arith.constant 0 : i32
      %dma_wait3A_14 = tpu.memref_slice %arg4[%mul3A_2, %dma_wait3A_13] : memref<2048x768xf32, #tpu.memory_space<hbm>> -> memref<64x768xf32, #tpu.memory_space<hbm>>
      tpu.wait_dma2 semaphore(%run_scoped3A : memref<!tpu.dma_semaphore, #tpu.memory_space<semaphore_mem>>) src(%arg6 : memref<64x768xf32, #tpu.memory_space<vmem>>) dst(%dma_wait3A_14 : memref<64x768xf32, #tpu.memory_space<hbm>>)
      tpu.yield
    }) : () -> ()
    return
  }
}

#map = affine_map<(d0, d1) -> (0, 0)>
#map1 = affine_map<(d0, d1) -> (0)>
module attributes {stable_mosaic.version = 14 : i64} {
  func.func @dispatch(%arg0: i32, %arg1: i32, %arg2: memref<2048x768xf32, #tpu.memory_space<hbm>>, %arg3: memref<2048xi32, #tpu.memory_space<hbm>>, %arg4: memref<2048x768xf32, #tpu.memory_space<hbm>>, %arg5: memref<64xi32, #tpu.memory_space<vmem>>, %arg6: memref<64x768xf32, #tpu.memory_space<vmem>>, %arg7: memref<!tpu.dma_semaphore, #tpu.memory_space<semaphore_mem>>) attributes {dimension_semantics = [#tpu.dimension_semantics<core_parallel>, #tpu.dimension_semantics<subcore_parallel>], iteration_bounds = array<i64: 2, 16>, scalar_prefetch = 0 : i64, scratch_operands = 3 : i64, tpu.core_type = #tpu.core_type<sc_vector_subcore>, window_params = [{transform_indices = #map}, {transform_indices = #map1}, {transform_indices = #map}]} {
    %mul3A = arith.constant 2 : i32
    %mul3A_0 = arith.muli %arg1, %mul3A : i32
    %add3A = arith.addi %mul3A_0, %arg0 : i32
    %mul3A_1 = arith.constant 64 : i32
    %mul3A_2 = arith.muli %add3A, %mul3A_1 : i32
    "tpu.region"() ({
      %run_scoped3A = tpu.sem_alloc : memref<!tpu.dma_semaphore, #tpu.memory_space<semaphore_mem>>
      %dma_start3A_7 = tpu.memref_slice %arg3[%mul3A_2] : memref<2048xi32, #tpu.memory_space<hbm>> -> memref<64xi32, #tpu.memory_space<hbm>>
      %dma_start3A_8 = tpu.memref_slice %arg3[%mul3A_2] : memref<2048xi32, #tpu.memory_space<hbm>> -> memref<64xi32, #tpu.memory_space<hbm>>
      tpu.enqueue_dma source(%dma_start3A_8 : memref<64xi32, #tpu.memory_space<hbm>>) target(%arg5 : memref<64xi32, #tpu.memory_space<vmem>>) target_semaphore(%run_scoped3A : memref<!tpu.dma_semaphore, #tpu.memory_space<semaphore_mem>>)
      %dma_wait3A_9 = tpu.memref_slice %arg3[%mul3A_2] : memref<2048xi32, #tpu.memory_space<hbm>> -> memref<64xi32, #tpu.memory_space<hbm>>
      %dma_wait3A_10 = tpu.memref_slice %arg3[%mul3A_2] : memref<2048xi32, #tpu.memory_space<hbm>> -> memref<64xi32, #tpu.memory_space<hbm>>
      tpu.wait_dma2 semaphore(%run_scoped3A : memref<!tpu.dma_semaphore, #tpu.memory_space<semaphore_mem>>) src(%dma_wait3A_10 : memref<64xi32, #tpu.memory_space<hbm>>) dst(%arg5 : memref<64xi32, #tpu.memory_space<vmem>>)
      tpu.yield
    }) : () -> ()
    %dma_start3A = arith.constant 0 : i32
    %dma_start3A_3 = arith.constant 0 : i32
    %dma_start3A_4 = tpu.memref_slice %arg2[%dma_start3A, %dma_start3A_3] : memref<2048x768xf32, #tpu.memory_space<hbm>> -> memref<2048x768xf32, #tpu.memory_space<hbm>>
    tpu.enqueue_indirect_dma source(%dma_start3A_4 : memref<2048x768xf32, #tpu.memory_space<hbm>>) target(%arg6 : memref<64x768xf32, #tpu.memory_space<vmem>>) offsets(%arg5 : memref<64xi32, #tpu.memory_space<vmem>>) semaphore(%arg7 : memref<!tpu.dma_semaphore, #tpu.memory_space<semaphore_mem>>)
    %dma_wait3A = arith.constant 0 : i32
    %dma_wait3A_5 = arith.constant 0 : i32
    %dma_wait3A_6 = tpu.memref_slice %arg2[%dma_wait3A, %dma_wait3A_5] : memref<2048x768xf32, #tpu.memory_space<hbm>> -> memref<2048x768xf32, #tpu.memory_space<hbm>>
    tpu.wait_indirect_dma semaphore(%arg7 : memref<!tpu.dma_semaphore, #tpu.memory_space<semaphore_mem>>) src(%dma_wait3A_6 : memref<2048x768xf32, #tpu.memory_space<hbm>>) dst(%arg6 : memref<64x768xf32, #tpu.memory_space<vmem>>)
    "tpu.region"() ({
      %run_scoped3A = tpu.sem_alloc : memref<!tpu.dma_semaphore, #tpu.memory_space<semaphore_mem>>
      %dma_start3A_7 = arith.constant 0 : i32
      %dma_start3A_8 = tpu.memref_slice %arg4[%mul3A_2, %dma_start3A_7] : memref<2048x768xf32, #tpu.memory_space<hbm>> -> memref<64x768xf32, #tpu.memory_space<hbm>>
      %dma_start3A_9 = arith.constant 0 : i32
      %dma_start3A_10 = tpu.memref_slice %arg4[%mul3A_2, %dma_start3A_9] : memref<2048x768xf32, #tpu.memory_space<hbm>> -> memref<64x768xf32, #tpu.memory_space<hbm>>
      tpu.enqueue_dma source(%arg6 : memref<64x768xf32, #tpu.memory_space<vmem>>) target(%dma_start3A_10 : memref<64x768xf32, #tpu.memory_space<hbm>>) target_semaphore(%run_scoped3A : memref<!tpu.dma_semaphore, #tpu.memory_space<semaphore_mem>>)
      %dma_wait3A_11 = arith.constant 0 : i32
      %dma_wait3A_12 = tpu.memref_slice %arg4[%mul3A_2, %dma_wait3A_11] : memref<2048x768xf32, #tpu.memory_space<hbm>> -> memref<64x768xf32, #tpu.memory_space<hbm>>
      %dma_wait3A_13 = arith.constant 0 : i32
      %dma_wait3A_14 = tpu.memref_slice %arg4[%mul3A_2, %dma_wait3A_13] : memref<2048x768xf32, #tpu.memory_space<hbm>> -> memref<64x768xf32, #tpu.memory_space<hbm>>
      tpu.wait_dma2 semaphore(%run_scoped3A : memref<!tpu.dma_semaphore, #tpu.memory_space<semaphore_mem>>) src(%arg6 : memref<64x768xf32, #tpu.memory_space<vmem>>) dst(%dma_wait3A_14 : memref<64x768xf32, #tpu.memory_space<hbm>>)
      tpu.yield
    }) : () -> ()
    return
  }
}

module attributes {stable_mosaic.version = 14 : i64} {
  func.func @_sort_body(%arg0: memref<2048x1xi32, #tpu.memory_space<vmem>>, %arg1: memref<2048x1xf32, #tpu.memory_space<vmem>>, %arg2: memref<2048x1xi32, #tpu.memory_space<vmem>>, %arg3: memref<2048x1xi32, #tpu.memory_space<vmem>>, %arg4: memref<2048x1xf32, #tpu.memory_space<vmem>>, %arg5: memref<1x16xi32, #tpu.memory_space<vmem>>) attributes {dimension_semantics = [], scalar_prefetch = 0 : i64, scratch_operands = 0 : i64, tpu.core_type = #tpu.core_type<tc>} {
    %get3A = arith.constant 0 : index
    %get3A_0 = arith.constant 0 : index
    %get3A_1 = vector.load %arg0[%get3A, %get3A_0] : memref<2048x1xi32, #tpu.memory_space<vmem>>, vector<2048x1xi32>
    %get3A_2 = arith.constant 0 : index
    %get3A_3 = arith.constant 0 : index
    %get3A_4 = vector.load %arg1[%get3A_2, %get3A_3] : memref<2048x1xf32, #tpu.memory_space<vmem>>, vector<2048x1xf32>
    %iota3A = tpu.iota {dimensions = array<i32: 1>} : vector<2048x8xi32>
    %eq3A = vector.broadcast %get3A_1 : vector<2048x1xi32> to vector<2048x8xi32>
    %eq3A_5 = arith.cmpi eq, %iota3A, %eq3A : vector<2048x8xi32>
    %convert_element_type3A = arith.extui %eq3A_5 : vector<2048x8xi1> to vector<2048x8xi32>
    %convert_element_type3A_6 = arith.sitofp %convert_element_type3A : vector<2048x8xi32> to vector<2048x8xf32>
    %iota3A_7 = tpu.iota {dimensions = array<i32: 0>} : vector<2048x1xi32>
    %iota3A_8 = tpu.iota {dimensions = array<i32: 1>} : vector<1x2048xi32>
    %gt3A = vector.broadcast %iota3A_7 : vector<2048x1xi32> to vector<2048x2048xi32>
    %gt3A_9 = vector.broadcast %iota3A_8 : vector<1x2048xi32> to vector<2048x2048xi32>
    %gt3A_10 = arith.cmpi sgt, %gt3A, %gt3A_9 : vector<2048x2048xi32>
    %convert_element_type3A_11 = arith.extui %gt3A_10 : vector<2048x2048xi1> to vector<2048x2048xi32>
    %convert_element_type3A_12 = arith.sitofp %convert_element_type3A_11 : vector<2048x2048xi32> to vector<2048x2048xf32>
    %convert_element_type3A_13 = arith.truncf %convert_element_type3A_12 : vector<2048x2048xf32> to vector<2048x2048xbf16>
    %convert_element_type3A_14 = arith.truncf %convert_element_type3A_6 : vector<2048x8xf32> to vector<2048x8xbf16>
    %dot_general3A = arith.constant dense<0.000000e+00> : vector<2048x8xf32>
    %dot_general3A_15 = tpu.matmul %convert_element_type3A_13, %convert_element_type3A_14, %dot_general3A {dimension_numbers = #tpu.dot_dimension_numbers<[1], [0], [0], [1], [0, 0, 1, 1], [], []>, transpose_lhs_hint = false} : vector<2048x2048xbf16>, vector<2048x8xbf16>, vector<2048x8xf32> -> vector<2048x8xf32>
    %reduce_sum3A = arith.constant dense<0.000000e+00> : vector<8xf32>
    %reduce_sum3A_16 = vector.multi_reduction <add>, %convert_element_type3A_6, %reduce_sum3A [0] : vector<2048x8xf32> to vector<8xf32>
    %broadcast_in_dim3A = vector.shape_cast %reduce_sum3A_16 : vector<8xf32> to vector<1x8xf32>
    %broadcast_in_dim3A_17 = arith.constant 0.000000e+00 : f32
    %broadcast_in_dim3A_18 = vector.broadcast %broadcast_in_dim3A_17 : f32 to vector<1x8xf32>
    %concatenate3A = tpu.concatenate %broadcast_in_dim3A, %broadcast_in_dim3A_18 in 1 : vector<1x8xf32>, vector<1x8xf32> -> vector<1x16xf32>
    %iota3A_19 = tpu.iota {dimensions = array<i32: 0>} : vector<16x16xi32>
    %iota3A_20 = tpu.iota {dimensions = array<i32: 1>} : vector<16x16xi32>
    %lt3A = arith.cmpi slt, %iota3A_19, %iota3A_20 : vector<16x16xi32>
    %convert_element_type3A_21 = arith.extui %lt3A : vector<16x16xi1> to vector<16x16xi32>
    %convert_element_type3A_22 = arith.sitofp %convert_element_type3A_21 : vector<16x16xi32> to vector<16x16xf32>
    %convert_element_type3A_23 = arith.truncf %convert_element_type3A_22 : vector<16x16xf32> to vector<16x16xbf16>
    %div3A = arith.constant 6.400000e+01 : f32
    %div3A_24 = vector.broadcast %div3A : f32 to vector<1x16xf32>
    %div3A_25 = arith.divf %concatenate3A, %div3A_24 : vector<1x16xf32>
    %floor3A = math.floor %div3A_25 : vector<1x16xf32>
    %mul3A = arith.constant 6.400000e+01 : f32
    %mul3A_26 = vector.broadcast %mul3A : f32 to vector<1x16xf32>
    %mul3A_27 = arith.mulf %floor3A, %mul3A_26 : vector<1x16xf32>
    %sub3A = arith.subf %concatenate3A, %mul3A_27 : vector<1x16xf32>
    %concatenate3A_28 = tpu.concatenate %floor3A, %sub3A in 0 : vector<1x16xf32>, vector<1x16xf32> -> vector<2x16xf32>
    %convert_element_type3A_29 = arith.truncf %concatenate3A_28 : vector<2x16xf32> to vector<2x16xbf16>
    %dot_general3A_30 = arith.constant dense<0.000000e+00> : vector<2x16xf32>
    %dot_general3A_31 = tpu.matmul %convert_element_type3A_29, %convert_element_type3A_23, %dot_general3A_30 {dimension_numbers = #tpu.dot_dimension_numbers<[1], [0], [0], [1], [0, 0, 1, 1], [], []>, transpose_lhs_hint = false} : vector<2x16xbf16>, vector<16x16xbf16>, vector<2x16xf32> -> vector<2x16xf32>
    %slice3A = vector.extract_strided_slice %dot_general3A_31 {offsets = [0, 0], sizes = [1, 16], strides = [1, 1]} : vector<2x16xf32> to vector<1x16xf32>
    %mul3A_32 = arith.constant 6.400000e+01 : f32
    %mul3A_33 = vector.broadcast %mul3A_32 : f32 to vector<1x16xf32>
    %mul3A_34 = arith.mulf %slice3A, %mul3A_33 : vector<1x16xf32>
    %slice3A_35 = vector.extract_strided_slice %dot_general3A_31 {offsets = [1, 0], sizes = [1, 16], strides = [1, 1]} : vector<2x16xf32> to vector<1x16xf32>
    %add3A = arith.addf %mul3A_34, %slice3A_35 : vector<1x16xf32>
    %convert_element_type3A_36 = arith.fptosi %add3A : vector<1x16xf32> to vector<1x16xi32>
    %swap3A = arith.constant 0 : index
    %swap3A_37 = arith.constant 0 : index
    %swap3A_38 = vector.load %arg5[%swap3A, %swap3A_37] : memref<1x16xi32, #tpu.memory_space<vmem>>, vector<1x16xi32>
    tpu.vector_store %arg5[%swap3A, %swap3A_37], %convert_element_type3A_36 {strides = array<i32>} : memref<1x16xi32, #tpu.memory_space<vmem>>, vector<1x16xi32>,
    %slice3A_39 = vector.extract_strided_slice %add3A {offsets = [0, 0], sizes = [1, 8], strides = [1, 1]} : vector<1x16xf32> to vector<1x8xf32>
    %add3A_40 = vector.broadcast %slice3A_39 : vector<1x8xf32> to vector<2048x8xf32>
    %add3A_41 = arith.addf %add3A_40, %dot_general3A_15 : vector<2048x8xf32>
    %mul3A_42 = arith.mulf %convert_element_type3A_6, %add3A_41 : vector<2048x8xf32>
    %reduce_sum3A_43 = arith.constant dense<0.000000e+00> : vector<2048xf32>
    %reduce_sum3A_44 = vector.multi_reduction <add>, %mul3A_42, %reduce_sum3A_43 [1] : vector<2048x8xf32> to vector<2048xf32>
    %broadcast_in_dim3A_45 = vector.shape_cast %reduce_sum3A_44 : vector<2048xf32> to vector<2048x1xf32>
    %convert_element_type3A_46 = arith.fptosi %broadcast_in_dim3A_45 : vector<2048x1xf32> to vector<2048x1xi32>
    %swap3A_47 = arith.constant 0 : index
    %swap3A_48 = arith.constant 0 : index
    %swap3A_49 = vector.load %arg2[%swap3A_47, %swap3A_48] : memref<2048x1xi32, #tpu.memory_space<vmem>>, vector<2048x1xi32>
    tpu.vector_store %arg2[%swap3A_47, %swap3A_48], %convert_element_type3A_46 {strides = array<i32>} : memref<2048x1xi32, #tpu.memory_space<vmem>>, vector<2048x1xi32>,
    %eq3A_50 = vector.broadcast %iota3A_7 : vector<2048x1xi32> to vector<2048x2048xi32>
    %eq3A_51 = vector.broadcast %iota3A_8 : vector<1x2048xi32> to vector<2048x2048xi32>
    %eq3A_52 = arith.cmpi eq, %eq3A_50, %eq3A_51 : vector<2048x2048xi32>
    %convert_element_type3A_53 = arith.extui %eq3A_52 : vector<2048x2048xi1> to vector<2048x2048xi32>
    %convert_element_type3A_54 = arith.sitofp %convert_element_type3A_53 : vector<2048x2048xi32> to vector<2048x2048xf32>
    %convert_element_type3A_55 = arith.truncf %convert_element_type3A_54 : vector<2048x2048xf32> to vector<2048x2048xbf16>
    %div3A_56 = arith.constant 6.400000e+01 : f32
    %div3A_57 = vector.broadcast %div3A_56 : f32 to vector<2048x1xf32>
    %div3A_58 = arith.divf %broadcast_in_dim3A_45, %div3A_57 : vector<2048x1xf32>
    %floor3A_59 = math.floor %div3A_58 : vector<2048x1xf32>
    %mul3A_60 = arith.constant 6.400000e+01 : f32
    %mul3A_61 = vector.broadcast %mul3A_60 : f32 to vector<2048x1xf32>
    %mul3A_62 = arith.mulf %floor3A_59, %mul3A_61 : vector<2048x1xf32>
    %sub3A_63 = arith.subf %broadcast_in_dim3A_45, %mul3A_62 : vector<2048x1xf32>
    %concatenate3A_64 = tpu.concatenate %floor3A_59, %sub3A_63 in 1 : vector<2048x1xf32>, vector<2048x1xf32> -> vector<2048x2xf32>
    %convert_element_type3A_65 = arith.truncf %concatenate3A_64 : vector<2048x2xf32> to vector<2048x2xbf16>
    %dot_general3A_66 = arith.constant dense<0.000000e+00> : vector<2x2048xf32>
    %dot_general3A_67 = tpu.matmul %convert_element_type3A_65, %convert_element_type3A_55, %dot_general3A_66 {dimension_numbers = #tpu.dot_dimension_numbers<[0], [0], [1], [1], [0, 1, 1, 1], [], []>, transpose_lhs_hint = false} : vector<2048x2xbf16>, vector<2048x2048xbf16>, vector<2x2048xf32> -> vector<2x2048xf32>
    %slice3A_68 = vector.extract_strided_slice %dot_general3A_67 {offsets = [0, 0], sizes = [1, 2048], strides = [1, 1]} : vector<2x2048xf32> to vector<1x2048xf32>
    %mul3A_69 = arith.constant 6.400000e+01 : f32
    %mul3A_70 = vector.broadcast %mul3A_69 : f32 to vector<1x2048xf32>
    %mul3A_71 = arith.mulf %slice3A_68, %mul3A_70 : vector<1x2048xf32>
    %slice3A_72 = vector.extract_strided_slice %dot_general3A_67 {offsets = [1, 0], sizes = [1, 2048], strides = [1, 1]} : vector<2x2048xf32> to vector<1x2048xf32>
    %add3A_73 = arith.addf %mul3A_71, %slice3A_72 : vector<1x2048xf32>
    %iota3A_74 = tpu.iota {dimensions = array<i32: 0>} : vector<2048x1xi32>
    %convert_element_type3A_75 = arith.sitofp %iota3A_74 : vector<2048x1xi32> to vector<2048x1xf32>
    %eq3A_76 = vector.broadcast %add3A_73 : vector<1x2048xf32> to vector<2048x2048xf32>
    %eq3A_77 = vector.broadcast %convert_element_type3A_75 : vector<2048x1xf32> to vector<2048x2048xf32>
    %eq3A_78 = arith.cmpf oeq, %eq3A_76, %eq3A_77 : vector<2048x2048xf32>
    %convert_element_type3A_79 = arith.extui %eq3A_78 : vector<2048x2048xi1> to vector<2048x2048xi32>
    %convert_element_type3A_80 = arith.sitofp %convert_element_type3A_79 : vector<2048x2048xi32> to vector<2048x2048xf32>
    %convert_element_type3A_81 = arith.truncf %convert_element_type3A_80 : vector<2048x2048xf32> to vector<2048x2048xbf16>
    %jit3A = arith.constant 64 : i32
    %div3A_82 = vector.broadcast %jit3A : i32 to vector<2048x1xi32>
    %div3A_83 = arith.divsi %iota3A_7, %div3A_82 : vector<2048x1xi32>
    %sign3A = arith.constant 0 : i32
    %sign3A_84 = vector.broadcast %sign3A : i32 to vector<2048x1xi32>
    %sign3A_85 = arith.cmpi sgt, %iota3A_7, %sign3A_84 : vector<2048x1xi32>
    %sign3A_86 = arith.extui %sign3A_85 : vector<2048x1xi1> to vector<2048x1xi32>
    %sign3A_87 = arith.constant 0 : i32
    %sign3A_88 = vector.broadcast %sign3A_87 : i32 to vector<2048x1xi32>
    %sign3A_89 = arith.cmpi slt, %iota3A_7, %sign3A_88 : vector<2048x1xi32>
    %sign3A_90 = arith.extui %sign3A_89 : vector<2048x1xi1> to vector<2048x1xi32>
    %sign3A_91 = arith.subi %sign3A_86, %sign3A_90 : vector<2048x1xi32>
    %sign3A_92 = arith.constant 0 : i32
    %sign3A_93 = arith.cmpi sgt, %jit3A, %sign3A_92 : i32
    %sign3A_94 = arith.extui %sign3A_93 : i1 to i32
    %sign3A_95 = arith.constant 0 : i32
    %sign3A_96 = arith.cmpi slt, %jit3A, %sign3A_95 : i32
    %sign3A_97 = arith.extui %sign3A_96 : i1 to i32
    %sign3A_98 = arith.subi %sign3A_94, %sign3A_97 : i32
    %ne3A = vector.broadcast %sign3A_98 : i32 to vector<2048x1xi32>
    %ne3A_99 = arith.cmpi ne, %sign3A_91, %ne3A : vector<2048x1xi32>
    %rem3A = vector.broadcast %jit3A : i32 to vector<2048x1xi32>
    %rem3A_100 = arith.remsi %iota3A_7, %rem3A : vector<2048x1xi32>
    %ne3A_101 = arith.constant 0 : i32
    %ne3A_102 = vector.broadcast %ne3A_101 : i32 to vector<2048x1xi32>
    %ne3A_103 = arith.cmpi ne, %rem3A_100, %ne3A_102 : vector<2048x1xi32>
    %and3A = arith.andi %ne3A_99, %ne3A_103 : vector<2048x1xi1>
    %sub3A_104 = arith.constant 1 : i32
    %sub3A_105 = vector.broadcast %sub3A_104 : i32 to vector<2048x1xi32>
    %sub3A_106 = arith.subi %div3A_83, %sub3A_105 : vector<2048x1xi32>
    %select_n3A = arith.select %and3A, %sub3A_106, %div3A_83 : vector<2048x1xi1>, vector<2048x1xi32>
    %mul3A_107 = arith.constant 64 : i32
    %mul3A_108 = vector.broadcast %mul3A_107 : i32 to vector<2048x1xi32>
    %mul3A_109 = arith.muli %select_n3A, %mul3A_108 : vector<2048x1xi32>
    %sub3A_110 = arith.subi %iota3A_7, %mul3A_109 : vector<2048x1xi32>
    %convert_element_type3A_111 = arith.truncf %get3A_4 : vector<2048x1xf32> to vector<2048x1xbf16>
    %convert_element_type3A_112 = arith.extf %convert_element_type3A_111 : vector<2048x1xbf16> to vector<2048x1xf32>
    %sub3A_113 = arith.subf %get3A_4, %convert_element_type3A_112 : vector<2048x1xf32>
    %convert_element_type3A_114 = arith.truncf %sub3A_113 : vector<2048x1xf32> to vector<2048x1xbf16>
    %convert_element_type3A_115 = arith.sitofp %select_n3A : vector<2048x1xi32> to vector<2048x1xbf16>
    %convert_element_type3A_116 = arith.sitofp %sub3A_110 : vector<2048x1xi32> to vector<2048x1xbf16>
    %concatenate3A_117 = tpu.concatenate %convert_element_type3A_115, %convert_element_type3A_116, %convert_element_type3A_111, %convert_element_type3A_114 in 1 : vector<2048x1xbf16>, vector<2048x1xbf16>, vector<2048x1xbf16>, vector<2048x1xbf16> -> vector<2048x4xbf16>
    %dot_general3A_118 = arith.constant dense<0.000000e+00> : vector<2048x4xf32>
    %dot_general3A_119 = tpu.matmul %convert_element_type3A_81, %concatenate3A_117, %dot_general3A_118 {dimension_numbers = #tpu.dot_dimension_numbers<[1], [0], [0], [1], [0, 0, 1, 1], [], []>, transpose_lhs_hint = false} : vector<2048x2048xbf16>, vector<2048x4xbf16>, vector<2048x4xf32> -> vector<2048x4xf32>
    %slice3A_120 = vector.extract_strided_slice %dot_general3A_119 {offsets = [0, 0], sizes = [2048, 1], strides = [1, 1]} : vector<2048x4xf32> to vector<2048x1xf32>
    %mul3A_121 = arith.constant 6.400000e+01 : f32
    %mul3A_122 = vector.broadcast %mul3A_121 : f32 to vector<2048x1xf32>
    %mul3A_123 = arith.mulf %slice3A_120, %mul3A_122 : vector<2048x1xf32>
    %slice3A_124 = vector.extract_strided_slice %dot_general3A_119 {offsets = [0, 1], sizes = [2048, 1], strides = [1, 1]} : vector<2048x4xf32> to vector<2048x1xf32>
    %add3A_125 = arith.addf %mul3A_123, %slice3A_124 : vector<2048x1xf32>
    %convert_element_type3A_126 = arith.fptosi %add3A_125 : vector<2048x1xf32> to vector<2048x1xi32>
    %swap3A_127 = arith.constant 0 : index
    %swap3A_128 = arith.constant 0 : index
    %swap3A_129 = vector.load %arg3[%swap3A_127, %swap3A_128] : memref<2048x1xi32, #tpu.memory_space<vmem>>, vector<2048x1xi32>
    tpu.vector_store %arg3[%swap3A_127, %swap3A_128], %convert_element_type3A_126 {strides = array<i32>} : memref<2048x1xi32, #tpu.memory_space<vmem>>, vector<2048x1xi32>,
    %slice3A_130 = vector.extract_strided_slice %dot_general3A_119 {offsets = [0, 2], sizes = [2048, 1], strides = [1, 1]} : vector<2048x4xf32> to vector<2048x1xf32>
    %slice3A_131 = vector.extract_strided_slice %dot_general3A_119 {offsets = [0, 3], sizes = [2048, 1], strides = [1, 1]} : vector<2048x4xf32> to vector<2048x1xf32>
    %add3A_132 = arith.addf %slice3A_130, %slice3A_131 : vector<2048x1xf32>
    %swap3A_133 = arith.constant 0 : index
    %swap3A_134 = arith.constant 0 : index
    %swap3A_135 = vector.load %arg4[%swap3A_133, %swap3A_134] : memref<2048x1xf32, #tpu.memory_space<vmem>>, vector<2048x1xf32>
    tpu.vector_store %arg4[%swap3A_133, %swap3A_134], %add3A_132 {strides = array<i32>} : memref<2048x1xf32, #tpu.memory_space<vmem>>, vector<2048x1xf32>,
    return
  }
}

module attributes {stable_mosaic.version = 14 : i64} {
  func.func @_gate_body(%arg0: memref<2048x768xf32, #tpu.memory_space<vmem>>, %arg1: memref<8x768xf32, #tpu.memory_space<vmem>>, %arg2: memref<2048x8xf32, #tpu.memory_space<vmem>>, %arg3: memref<2048x1xi32, #tpu.memory_space<vmem>>, %arg4: memref<2048x1xf32, #tpu.memory_space<vmem>>) attributes {dimension_semantics = [], scalar_prefetch = 0 : i64, scratch_operands = 0 : i64, tpu.core_type = #tpu.core_type<tc>} {
    %get3A = arith.constant 0 : index
    %get3A_0 = arith.constant 0 : index
    %get3A_1 = vector.load %arg0[%get3A, %get3A_0] : memref<2048x768xf32, #tpu.memory_space<vmem>>, vector<2048x768xf32>
    %get3A_2 = arith.constant 0 : index
    %get3A_3 = arith.constant 0 : index
    %get3A_4 = vector.load %arg1[%get3A_2, %get3A_3] : memref<8x768xf32, #tpu.memory_space<vmem>>, vector<8x768xf32>
    %dot_general3A = arith.constant dense<0.000000e+00> : vector<2048x8xf32>
    %dot_general3A_5 = tpu.matmul %get3A_1, %get3A_4, %dot_general3A {dimension_numbers = #tpu.dot_dimension_numbers<[1], [1], [0], [0], [0, 0, 1, 0], [], []>, transpose_lhs_hint = false} : vector<2048x768xf32>, vector<8x768xf32>, vector<2048x8xf32> -> vector<2048x8xf32>
    %reduce_max3A = arith.constant dense<0xFF800000> : vector<2048xf32>
    %reduce_max3A_6 = vector.multi_reduction <maximumf>, %dot_general3A_5, %reduce_max3A [1] : vector<2048x8xf32> to vector<2048xf32>
    %broadcast_in_dim3A = vector.shape_cast %reduce_max3A_6 : vector<2048xf32> to vector<2048x1xf32>
    %sub3A = vector.broadcast %broadcast_in_dim3A : vector<2048x1xf32> to vector<2048x8xf32>
    %sub3A_7 = arith.subf %dot_general3A_5, %sub3A : vector<2048x8xf32>
    %exp3A = math.exp %sub3A_7 : vector<2048x8xf32>
    %reduce_sum3A = arith.constant dense<0.000000e+00> : vector<2048xf32>
    %reduce_sum3A_8 = vector.multi_reduction <add>, %exp3A, %reduce_sum3A [1] : vector<2048x8xf32> to vector<2048xf32>
    %broadcast_in_dim3A_9 = vector.shape_cast %reduce_sum3A_8 : vector<2048xf32> to vector<2048x1xf32>
    %div3A = vector.broadcast %broadcast_in_dim3A_9 : vector<2048x1xf32> to vector<2048x8xf32>
    %div3A_10 = arith.divf %exp3A, %div3A : vector<2048x8xf32>
    %swap3A = arith.constant 0 : index
    %swap3A_11 = arith.constant 0 : index
    %swap3A_12 = vector.load %arg2[%swap3A, %swap3A_11] : memref<2048x8xf32, #tpu.memory_space<vmem>>, vector<2048x8xf32>
    tpu.vector_store %arg2[%swap3A, %swap3A_11], %div3A_10 {strides = array<i32>} : memref<2048x8xf32, #tpu.memory_space<vmem>>, vector<2048x8xf32>,
    %reduce_max3A_13 = arith.constant dense<0xFF800000> : vector<2048xf32>
    %reduce_max3A_14 = vector.multi_reduction <maximumf>, %div3A_10, %reduce_max3A_13 [1] : vector<2048x8xf32> to vector<2048xf32>
    %broadcast_in_dim3A_15 = vector.shape_cast %reduce_max3A_14 : vector<2048xf32> to vector<2048x1xf32>
    %add3A = arith.constant 9.99999971E-10 : f32
    %add3A_16 = vector.broadcast %add3A : f32 to vector<2048x1xf32>
    %add3A_17 = arith.addf %broadcast_in_dim3A_15, %add3A_16 : vector<2048x1xf32>
    %div3A_18 = arith.divf %broadcast_in_dim3A_15, %add3A_17 : vector<2048x1xf32>
    %swap3A_19 = arith.constant 0 : index
    %swap3A_20 = arith.constant 0 : index
    %swap3A_21 = vector.load %arg4[%swap3A_19, %swap3A_20] : memref<2048x1xf32, #tpu.memory_space<vmem>>, vector<2048x1xf32>
    tpu.vector_store %arg4[%swap3A_19, %swap3A_20], %div3A_18 {strides = array<i32>} : memref<2048x1xf32, #tpu.memory_space<vmem>>, vector<2048x1xf32>,
    %iota3A = tpu.iota {dimensions = array<i32: 1>} : vector<2048x8xi32>
    %eq3A = vector.broadcast %broadcast_in_dim3A_15 : vector<2048x1xf32> to vector<2048x8xf32>
    %eq3A_22 = arith.cmpf oeq, %div3A_10, %eq3A : vector<2048x8xf32>
    %jit3A = arith.constant 8 : i32
    %broadcast_in_dim3A_23 = vector.broadcast %jit3A : i32 to vector<2048x8xi32>
    %select_n3A = arith.select %eq3A_22, %iota3A, %broadcast_in_dim3A_23 : vector<2048x8xi1>, vector<2048x8xi32>
    %reduce_min3A = arith.constant dense<2147483647> : vector<2048xi32>
    %reduce_min3A_24 = vector.multi_reduction <minsi>, %select_n3A, %reduce_min3A [1] : vector<2048x8xi32> to vector<2048xi32>
    %broadcast_in_dim3A_25 = vector.shape_cast %reduce_min3A_24 : vector<2048xi32> to vector<2048x1xi32>
    %swap3A_26 = arith.constant 0 : index
    %swap3A_27 = arith.constant 0 : index
    %swap3A_28 = vector.load %arg3[%swap3A_26, %swap3A_27] : memref<2048x1xi32, #tpu.memory_space<vmem>>, vector<2048x1xi32>
    tpu.vector_store %arg3[%swap3A_26, %swap3A_27], %broadcast_in_dim3A_25 {strides = array<i32>} : memref<2048x1xi32, #tpu.memory_space<vmem>>, vector<2048x1xi32>,
    return
  }
}

module attributes {stable_mosaic.version = 14 : i64} {
  func.func @_ffn_body(%arg0: i32, %arg1: i32, %arg2: memref<1x16xi32, #tpu.memory_space<smem>>, %arg3: memref<2048x1xf32, #tpu.memory_space<vmem>>, %arg4: memref<2048x768xf32, #tpu.memory_space<vmem>>, %arg5: memref<1x768x512xf32, #tpu.memory_space<vmem>>, %arg6: memref<1x1x512xf32, #tpu.memory_space<vmem>>, %arg7: memref<1x512x768xf32, #tpu.memory_space<vmem>>, %arg8: memref<1x1x768xf32, #tpu.memory_space<vmem>>, %arg9: memref<2048x768xf32, #tpu.memory_space<vmem>>) attributes {dimension_semantics = [#tpu.dimension_semantics<arbitrary>, #tpu.dimension_semantics<arbitrary>], iteration_bounds = array<i64: 8, 6>, scalar_prefetch = 0 : i64, scratch_operands = 0 : i64, tpu.core_type = #tpu.core_type<tc>, window_params = [{transform_indices = @transform_0, window_bounds = array<i64: 1, 16>}, {pipeline_mode = #tpu.pipeline_mode<synchronous>, transform_indices = @transform_1, window_bounds = array<i64: 2048, 1>}, {pipeline_mode = #tpu.pipeline_mode<synchronous>, transform_indices = @transform_2, window_bounds = array<i64: 2048, 768>}, {transform_indices = @transform_3, window_bounds = array<i64: 1, 768, 512>}, {transform_indices = @transform_4, window_bounds = array<i64: 1, 1, 512>}, {transform_indices = @transform_5, window_bounds = array<i64: 1, 512, 768>}, {transform_indices = @transform_6, window_bounds = array<i64: 1, 1, 768>}, {pipeline_mode = #tpu.pipeline_mode<synchronous>, transform_indices = @transform_7, window_bounds = array<i64: 2048, 768>}]} {
    %eq3A = arith.constant 0 : i32
    %eq3A_0 = arith.cmpi eq, %arg0, %eq3A : i32
    %eq3A_1 = arith.constant 0 : i32
    %eq3A_2 = arith.cmpi eq, %arg1, %eq3A_1 : i32
    %and3A = arith.andi %eq3A_0, %eq3A_2 : i1
    %convert_element_type3A = arith.extui %and3A : i1 to i32
    %cond3A = arith.constant 0 : i32
    %cond3A_3 = arith.cmpi ne, %convert_element_type3A, %cond3A : i32
    scf.if %cond3A_3 {
      %broadcast_in_dim3A = arith.constant 0.000000e+00 : f32
      %broadcast_in_dim3A_88 = vector.broadcast %broadcast_in_dim3A : f32 to vector<2048x768xf32>
      %swap3A = arith.constant 0 : index
      %swap3A_89 = arith.constant 0 : index
      %swap3A_90 = vector.load %arg9[%swap3A, %swap3A_89] : memref<2048x768xf32, #tpu.memory_space<vmem>>, vector<2048x768xf32>
      tpu.vector_store %arg9[%swap3A, %swap3A_89], %broadcast_in_dim3A_88 {strides = array<i32>} : memref<2048x768xf32, #tpu.memory_space<vmem>>, vector<2048x768xf32>,
    } else {
    }
    %get3A = arith.constant 0 : index
    %get3A_4 = arith.index_cast %arg0 : i32 to index
    %get3A_5 = memref.load %arg2[%get3A, %get3A_4] : memref<1x16xi32, #tpu.memory_space<smem>>
    %add3A = arith.constant 1 : i32
    %add3A_6 = arith.addi %arg0, %add3A : i32
    %get3A_7 = arith.constant 0 : index
    %get3A_8 = arith.index_cast %add3A_6 : i32 to index
    %get3A_9 = memref.load %arg2[%get3A_7, %get3A_8] : memref<1x16xi32, #tpu.memory_space<smem>>
    %jit3A = arith.constant 256 : i32
    %div3A = arith.divsi %get3A_5, %jit3A : i32
    %sign3A = arith.constant 0 : i32
    %sign3A_10 = arith.cmpi sgt, %get3A_5, %sign3A : i32
    %sign3A_11 = arith.extui %sign3A_10 : i1 to i32
    %sign3A_12 = arith.constant 0 : i32
    %sign3A_13 = arith.cmpi slt, %get3A_5, %sign3A_12 : i32
    %sign3A_14 = arith.extui %sign3A_13 : i1 to i32
    %sign3A_15 = arith.subi %sign3A_11, %sign3A_14 : i32
    %sign3A_16 = arith.constant 0 : i32
    %sign3A_17 = arith.cmpi sgt, %jit3A, %sign3A_16 : i32
    %sign3A_18 = arith.extui %sign3A_17 : i1 to i32
    %sign3A_19 = arith.constant 0 : i32
    %sign3A_20 = arith.cmpi slt, %jit3A, %sign3A_19 : i32
    %sign3A_21 = arith.extui %sign3A_20 : i1 to i32
    %sign3A_22 = arith.subi %sign3A_18, %sign3A_21 : i32
    %ne3A = arith.cmpi ne, %sign3A_15, %sign3A_22 : i32
    %rem3A = arith.remsi %get3A_5, %jit3A : i32
    %ne3A_23 = arith.constant 0 : i32
    %ne3A_24 = arith.cmpi ne, %rem3A, %ne3A_23 : i32
    %and3A_25 = arith.andi %ne3A, %ne3A_24 : i1
    %sub3A = arith.constant 1 : i32
    %sub3A_26 = arith.subi %div3A, %sub3A : i32
    %select_n3A = arith.select %and3A_25, %sub3A_26, %div3A : i32
    %add3A_27 = arith.constant 256 : i32
    %add3A_28 = arith.addi %get3A_9, %add3A_27 : i32
    %sub3A_29 = arith.constant 1 : i32
    %sub3A_30 = arith.subi %add3A_28, %sub3A_29 : i32
    %jit3A_31 = arith.constant 256 : i32
    %div3A_32 = arith.divsi %sub3A_30, %jit3A_31 : i32
    %sign3A_33 = arith.constant 0 : i32
    %sign3A_34 = arith.cmpi sgt, %sub3A_30, %sign3A_33 : i32
    %sign3A_35 = arith.extui %sign3A_34 : i1 to i32
    %sign3A_36 = arith.constant 0 : i32
    %sign3A_37 = arith.cmpi slt, %sub3A_30, %sign3A_36 : i32
    %sign3A_38 = arith.extui %sign3A_37 : i1 to i32
    %sign3A_39 = arith.subi %sign3A_35, %sign3A_38 : i32
    %sign3A_40 = arith.constant 0 : i32
    %sign3A_41 = arith.cmpi sgt, %jit3A_31, %sign3A_40 : i32
    %sign3A_42 = arith.extui %sign3A_41 : i1 to i32
    %sign3A_43 = arith.constant 0 : i32
    %sign3A_44 = arith.cmpi slt, %jit3A_31, %sign3A_43 : i32
    %sign3A_45 = arith.extui %sign3A_44 : i1 to i32
    %sign3A_46 = arith.subi %sign3A_42, %sign3A_45 : i32
    %ne3A_47 = arith.cmpi ne, %sign3A_39, %sign3A_46 : i32
    %rem3A_48 = arith.remsi %sub3A_30, %jit3A_31 : i32
    %ne3A_49 = arith.constant 0 : i32
    %ne3A_50 = arith.cmpi ne, %rem3A_48, %ne3A_49 : i32
    %and3A_51 = arith.andi %ne3A_47, %ne3A_50 : i1
    %sub3A_52 = arith.constant 1 : i32
    %sub3A_53 = arith.subi %div3A_32, %sub3A_52 : i32
    %select_n3A_54 = arith.select %and3A_51, %sub3A_53, %div3A_32 : i32
    %get3A_55 = arith.constant 0 : index
    %get3A_56 = arith.constant 0 : index
    %get3A_57 = arith.constant 0 : index
    %get3A_58 = vector.load %arg5[%get3A_55, %get3A_56, %get3A_57] : memref<1x768x512xf32, #tpu.memory_space<vmem>>, vector<1x768x512xf32>
    %get3A_59 = vector.shape_cast %get3A_58 : vector<1x768x512xf32> to vector<768x512xf32>
    %get3A_60 = arith.constant 0 : index
    %get3A_61 = arith.constant 0 : index
    %get3A_62 = arith.constant 0 : index
    %get3A_63 = vector.load %arg6[%get3A_60, %get3A_61, %get3A_62] : memref<1x1x512xf32, #tpu.memory_space<vmem>>, vector<1x1x512xf32>
    %get3A_64 = vector.shape_cast %get3A_63 : vector<1x1x512xf32> to vector<1x512xf32>
    %get3A_65 = arith.constant 0 : index
    %get3A_66 = arith.constant 0 : index
    %get3A_67 = arith.constant 0 : index
    %get3A_68 = vector.load %arg7[%get3A_65, %get3A_66, %get3A_67] : memref<1x512x768xf32, #tpu.memory_space<vmem>>, vector<1x512x768xf32>
    %get3A_69 = vector.shape_cast %get3A_68 : vector<1x512x768xf32> to vector<512x768xf32>
    %get3A_70 = arith.constant 0 : index
    %get3A_71 = arith.constant 0 : index
    %get3A_72 = arith.constant 0 : index
    %get3A_73 = vector.load %arg8[%get3A_70, %get3A_71, %get3A_72] : memref<1x1x768xf32, #tpu.memory_space<vmem>>, vector<1x1x768xf32>
    %get3A_74 = vector.shape_cast %get3A_73 : vector<1x1x768xf32> to vector<1x768xf32>
    %eq3A_75 = arith.constant 0 : i32
    %eq3A_76 = arith.cmpi eq, %arg1, %eq3A_75 : i32
    %convert_element_type3A_77 = arith.extui %eq3A_76 : i1 to i32
    %convert_element_type3A_78 = arith.sitofp %convert_element_type3A_77 : i32 to f32
    %mul3A = vector.broadcast %convert_element_type3A_78 : f32 to vector<1x768xf32>
    %mul3A_79 = arith.mulf %get3A_74, %mul3A : vector<1x768xf32>
    %while3A = arith.constant 0 : i32
    %while3A_80 = arith.subi %select_n3A_54, %select_n3A : i32
    %while3A_81 = arith.addi %select_n3A, %while3A_80 : i32
    %while3A_82 = arith.constant 1 : i32
    %while3A_83 = arith.divsi %while3A_80, %while3A_82 : i32
    %while3A_84 = arith.muli %while3A_83, %while3A_82 : i32
    %while3A_85 = arith.addi %select_n3A, %while3A_84 : i32
    %while3A_86 = arith.constant 1 : i32
    scf.for %while3A_88 = %select_n3A to %while3A_85 step %while3A_86  : i32 {
      %mul3A_89 = arith.constant 256 : i32
      %mul3A_90 = arith.muli %while3A_88, %mul3A_89 : i32
      %get3A_91 = arith.index_cast %mul3A_90 : i32 to index
      %get3A_92 = arith.constant 0 : index
      %get3A_93 = vector.load %arg4[%get3A_91, %get3A_92] : memref<2048x768xf32, #tpu.memory_space<vmem>>, vector<256x768xf32>
      %dot_general3A = arith.constant dense<0.000000e+00> : vector<256x512xf32>
      %dot_general3A_94 = tpu.matmul %get3A_93, %get3A_59, %dot_general3A {dimension_numbers = #tpu.dot_dimension_numbers<[1], [0], [0], [1], [0, 0, 1, 1], [], []>, transpose_lhs_hint = false} : vector<256x768xf32>, vector<768x512xf32>, vector<256x512xf32> -> vector<256x512xf32>
      %add3A_95 = vector.broadcast %get3A_64 : vector<1x512xf32> to vector<256x512xf32>
      %add3A_96 = arith.addf %dot_general3A_94, %add3A_95 : vector<256x512xf32>
      %mul3A_97 = arith.constant 5.000000e-01 : f32
      %mul3A_98 = vector.broadcast %mul3A_97 : f32 to vector<256x512xf32>
      %mul3A_99 = arith.mulf %mul3A_98, %add3A_96 : vector<256x512xf32>
      %mul3A_100 = arith.constant 0.707106769 : f32
      %mul3A_101 = vector.broadcast %mul3A_100 : f32 to vector<256x512xf32>
      %mul3A_102 = arith.mulf %add3A_96, %mul3A_101 : vector<256x512xf32>
      %erf3A = math.erf %mul3A_102 : vector<256x512xf32>
      %add3A_103 = arith.constant 1.000000e+00 : f32
      %add3A_104 = vector.broadcast %add3A_103 : f32 to vector<256x512xf32>
      %add3A_105 = arith.addf %add3A_104, %erf3A : vector<256x512xf32>
      %mul3A_106 = arith.mulf %mul3A_99, %add3A_105 : vector<256x512xf32>
      %dot_general3A_107 = arith.constant dense<0.000000e+00> : vector<256x768xf32>
      %dot_general3A_108 = tpu.matmul %mul3A_106, %get3A_69, %dot_general3A_107 {dimension_numbers = #tpu.dot_dimension_numbers<[1], [0], [0], [1], [0, 0, 1, 1], [], []>, transpose_lhs_hint = false} : vector<256x512xf32>, vector<512x768xf32>, vector<256x768xf32> -> vector<256x768xf32>
      %add3A_109 = vector.broadcast %mul3A_79 : vector<1x768xf32> to vector<256x768xf32>
      %add3A_110 = arith.addf %dot_general3A_108, %add3A_109 : vector<256x768xf32>
      %iota3A = tpu.iota {dimensions = array<i32: 0>} : vector<256x1xi32>
      %add3A_111 = vector.broadcast %mul3A_90 : i32 to vector<256x1xi32>
      %add3A_112 = arith.addi %add3A_111, %iota3A : vector<256x1xi32>
      %ge3A = vector.broadcast %get3A_5 : i32 to vector<256x1xi32>
      %ge3A_113 = arith.cmpi sge, %add3A_112, %ge3A : vector<256x1xi32>
      %lt3A = vector.broadcast %get3A_9 : i32 to vector<256x1xi32>
      %lt3A_114 = arith.cmpi slt, %add3A_112, %lt3A : vector<256x1xi32>
      %and3A_115 = arith.andi %ge3A_113, %lt3A_114 : vector<256x1xi1>
      %convert_element_type3A_116 = arith.extui %and3A_115 : vector<256x1xi1> to vector<256x1xi32>
      %convert_element_type3A_117 = arith.sitofp %convert_element_type3A_116 : vector<256x1xi32> to vector<256x1xf32>
      %get3A_118 = arith.index_cast %mul3A_90 : i32 to index
      %get3A_119 = arith.constant 0 : index
      %get3A_120 = vector.load %arg3[%get3A_118, %get3A_119] : memref<2048x1xf32, #tpu.memory_space<vmem>>, vector<256x1xf32>
      %get3A_121 = arith.index_cast %mul3A_90 : i32 to index
      %get3A_122 = arith.constant 0 : index
      %get3A_123 = vector.load %arg9[%get3A_121, %get3A_122] : memref<2048x768xf32, #tpu.memory_space<vmem>>, vector<256x768xf32>
      %mul3A_124 = arith.mulf %convert_element_type3A_117, %get3A_120 : vector<256x1xf32>
      %mul3A_125 = vector.broadcast %mul3A_124 : vector<256x1xf32> to vector<256x768xf32>
      %mul3A_126 = arith.mulf %mul3A_125, %add3A_110 : vector<256x768xf32>
      %add3A_127 = arith.addf %get3A_123, %mul3A_126 : vector<256x768xf32>
      %swap3A = arith.index_cast %mul3A_90 : i32 to index
      %swap3A_128 = arith.constant 0 : index
      %swap3A_129 = vector.load %arg9[%swap3A, %swap3A_128] : memref<2048x768xf32, #tpu.memory_space<vmem>>, vector<256x768xf32>
      tpu.vector_store %arg9[%swap3A, %swap3A_128], %add3A_127 {strides = array<i32>} : memref<2048x768xf32, #tpu.memory_space<vmem>>, vector<256x768xf32>,
    }
    %while3A_87 = arith.constant 1 : i32
    scf.for %while3A_88 = %while3A_85 to %while3A_81 step %while3A_87  : i32 {
      %mul3A_89 = arith.constant 256 : i32
      %mul3A_90 = arith.muli %while3A_88, %mul3A_89 : i32
      %get3A_91 = arith.index_cast %mul3A_90 : i32 to index
      %get3A_92 = arith.constant 0 : index
      %get3A_93 = vector.load %arg4[%get3A_91, %get3A_92] : memref<2048x768xf32, #tpu.memory_space<vmem>>, vector<256x768xf32>
      %dot_general3A = arith.constant dense<0.000000e+00> : vector<256x512xf32>
      %dot_general3A_94 = tpu.matmul %get3A_93, %get3A_59, %dot_general3A {dimension_numbers = #tpu.dot_dimension_numbers<[1], [0], [0], [1], [0, 0, 1, 1], [], []>, transpose_lhs_hint = false} : vector<256x768xf32>, vector<768x512xf32>, vector<256x512xf32> -> vector<256x512xf32>
      %add3A_95 = vector.broadcast %get3A_64 : vector<1x512xf32> to vector<256x512xf32>
      %add3A_96 = arith.addf %dot_general3A_94, %add3A_95 : vector<256x512xf32>
      %mul3A_97 = arith.constant 5.000000e-01 : f32
      %mul3A_98 = vector.broadcast %mul3A_97 : f32 to vector<256x512xf32>
      %mul3A_99 = arith.mulf %mul3A_98, %add3A_96 : vector<256x512xf32>
      %mul3A_100 = arith.constant 0.707106769 : f32
      %mul3A_101 = vector.broadcast %mul3A_100 : f32 to vector<256x512xf32>
      %mul3A_102 = arith.mulf %add3A_96, %mul3A_101 : vector<256x512xf32>
      %erf3A = math.erf %mul3A_102 : vector<256x512xf32>
      %add3A_103 = arith.constant 1.000000e+00 : f32
      %add3A_104 = vector.broadcast %add3A_103 : f32 to vector<256x512xf32>
      %add3A_105 = arith.addf %add3A_104, %erf3A : vector<256x512xf32>
      %mul3A_106 = arith.mulf %mul3A_99, %add3A_105 : vector<256x512xf32>
      %dot_general3A_107 = arith.constant dense<0.000000e+00> : vector<256x768xf32>
      %dot_general3A_108 = tpu.matmul %mul3A_106, %get3A_69, %dot_general3A_107 {dimension_numbers = #tpu.dot_dimension_numbers<[1], [0], [0], [1], [0, 0, 1, 1], [], []>, transpose_lhs_hint = false} : vector<256x512xf32>, vector<512x768xf32>, vector<256x768xf32> -> vector<256x768xf32>
      %add3A_109 = vector.broadcast %mul3A_79 : vector<1x768xf32> to vector<256x768xf32>
      %add3A_110 = arith.addf %dot_general3A_108, %add3A_109 : vector<256x768xf32>
      %iota3A = tpu.iota {dimensions = array<i32: 0>} : vector<256x1xi32>
      %add3A_111 = vector.broadcast %mul3A_90 : i32 to vector<256x1xi32>
      %add3A_112 = arith.addi %add3A_111, %iota3A : vector<256x1xi32>
      %ge3A = vector.broadcast %get3A_5 : i32 to vector<256x1xi32>
      %ge3A_113 = arith.cmpi sge, %add3A_112, %ge3A : vector<256x1xi32>
      %lt3A = vector.broadcast %get3A_9 : i32 to vector<256x1xi32>
      %lt3A_114 = arith.cmpi slt, %add3A_112, %lt3A : vector<256x1xi32>
      %and3A_115 = arith.andi %ge3A_113, %lt3A_114 : vector<256x1xi1>
      %convert_element_type3A_116 = arith.extui %and3A_115 : vector<256x1xi1> to vector<256x1xi32>
      %convert_element_type3A_117 = arith.sitofp %convert_element_type3A_116 : vector<256x1xi32> to vector<256x1xf32>
      %get3A_118 = arith.index_cast %mul3A_90 : i32 to index
      %get3A_119 = arith.constant 0 : index
      %get3A_120 = vector.load %arg3[%get3A_118, %get3A_119] : memref<2048x1xf32, #tpu.memory_space<vmem>>, vector<256x1xf32>
      %get3A_121 = arith.index_cast %mul3A_90 : i32 to index
      %get3A_122 = arith.constant 0 : index
      %get3A_123 = vector.load %arg9[%get3A_121, %get3A_122] : memref<2048x768xf32, #tpu.memory_space<vmem>>, vector<256x768xf32>
      %mul3A_124 = arith.mulf %convert_element_type3A_117, %get3A_120 : vector<256x1xf32>
      %mul3A_125 = vector.broadcast %mul3A_124 : vector<256x1xf32> to vector<256x768xf32>
      %mul3A_126 = arith.mulf %mul3A_125, %add3A_110 : vector<256x768xf32>
      %add3A_127 = arith.addf %get3A_123, %mul3A_126 : vector<256x768xf32>
      %swap3A = arith.index_cast %mul3A_90 : i32 to index
      %swap3A_128 = arith.constant 0 : index
      %swap3A_129 = vector.load %arg9[%swap3A, %swap3A_128] : memref<2048x768xf32, #tpu.memory_space<vmem>>, vector<256x768xf32>
      tpu.vector_store %arg9[%swap3A, %swap3A_128], %add3A_127 {strides = array<i32>} : memref<2048x768xf32, #tpu.memory_space<vmem>>, vector<256x768xf32>,
    }
    return
  }
  func.func @transform_0(%arg0: i32, %arg1: i32) -> (i32, i32) {
    %c0_i32 = arith.constant 0 : i32
    %c0_i32_0 = arith.constant 0 : i32
    %c0_i32_1 = arith.constant 0 : i32
    return %c0_i32, %c0_i32_0 : i32, i32
  }
  func.func @transform_1(%arg0: i32, %arg1: i32) -> (i32, i32) {
    %c0_i32 = arith.constant 0 : i32
    %c0_i32_0 = arith.constant 0 : i32
    %c0_i32_1 = arith.constant 0 : i32
    return %c0_i32, %c0_i32_0 : i32, i32
  }
  func.func @transform_2(%arg0: i32, %arg1: i32) -> (i32, i32) {
    %c0_i32 = arith.constant 0 : i32
    %c0_i32_0 = arith.constant 0 : i32
    %c0_i32_1 = arith.constant 0 : i32
    return %c0_i32, %c0_i32_0 : i32, i32
  }
  func.func @transform_3(%arg0: i32, %arg1: i32) -> (i32, i32, i32) {
    %c0_i32 = arith.constant 0 : i32
    %c0_i32_0 = arith.constant 0 : i32
    return %arg0, %c0_i32, %arg1 : i32, i32, i32
  }
  func.func @transform_4(%arg0: i32, %arg1: i32) -> (i32, i32, i32) {
    %c0_i32 = arith.constant 0 : i32
    %c0_i32_0 = arith.constant 0 : i32
    return %arg0, %c0_i32, %arg1 : i32, i32, i32
  }
  func.func @transform_5(%arg0: i32, %arg1: i32) -> (i32, i32, i32) {
    %c0_i32 = arith.constant 0 : i32
    %c0_i32_0 = arith.constant 0 : i32
    return %arg0, %arg1, %c0_i32 : i32, i32, i32
  }
  func.func @transform_6(%arg0: i32, %arg1: i32) -> (i32, i32, i32) {
    %c0_i32 = arith.constant 0 : i32
    %c0_i32_0 = arith.constant 0 : i32
    %c0_i32_1 = arith.constant 0 : i32
    return %arg0, %c0_i32, %c0_i32_0 : i32, i32, i32
  }
  func.func @transform_7(%arg0: i32, %arg1: i32) -> (i32, i32) {
    %c0_i32 = arith.constant 0 : i32
    %c0_i32_0 = arith.constant 0 : i32
    %c0_i32_1 = arith.constant 0 : i32
    return %c0_i32, %c0_i32_0 : i32, i32
  }
}

</mosaic_0001>

<sc_bundles>
// kernel: kernel.10.cloned.1.call-start
scs
__scs_entry_jumppad:
0x0: {  	(pc) =	sbr.rel $0x88, $3  }
0x1: {  	(tag) =	ssettag $0x0;
	lr =	simm.s32 $0x1  }
0x2: {  	[smem:$0x3F9B] =	sst lr;
	_ =	strace $0xD0000000  }
0x3: {  	_ = 	snop  }
0x4: {  	_ = 	snop  }
0x5: {  	_ = 	snop  }
0x6: {  	_ = 	snop  }
0x7: {  	_ = 	snop  }
__scs_overlays_trampoline_lowered:
0x8: {  	[smem:$0x3FAA] =	sst s0  }
0x9: {  	[smem:$0x3FAB] =	sst s1  }
0xa: {  	[smem:$0x3FAC] =	sst s2  }
0xb: {  	[smem:$0x3FAD] =	sst s3  }
0xc: {  	[smem:$0x3FAE] =	sst s4  }
0xd: {  	[smem:$0x3FAF] =	sst s5  }
0xe: {  	[smem:$0x3FB0] =	sst s6  }
0xf: {  	[smem:$0x3FB1] =	sst s7  }
0x10: {  	[smem:$0x3FB2] =	sst s8  }
0x11: {  	[smem:$0x3FB3] =	sst s9;
	s0 =	simm.s32 @!p0 $0x0  }
0x12: {  	s1 =	sld [smem:$0x3F99];
	s0 =	simm.s32 @p0 $0x1  }
0x13: {  	[smem:$0x3FB4] =	sst s0;
	s0 =	simm.s32 @!p1 $0x0  }
0x14: {  	s2 =	sld [smem:$0x3F98];
	s0 =	simm.s32 @p1 $0x1  }
0x15: {  	[smem:$0x3FB5] =	sst s0;
	s0 =	simm.s32 @!p2 $0x0  }
0x16: {  	s3 =	sld [smem:$0x3FDB];
	s0 =	simm.s32 @p2 $0x1  }
0x17: {  	s4 =	simm.s32 $0x1BF5;
	[smem:$0x3FB7] =	sst s0  }
0x18: {  	s0 =	sld [smem:$0x3F9A];
	_ =	swait.ge [sflag:s4], $0x0  }
0x19: {  	s7 =	sld [smem:$0x3F9B]  }
0x1a: {  	s8 =	sadd.s32 $0xFFFFE003, lr  }
0x1b: {  	s9 =	sadd.s32 $0xFFFFFEF7, lr;
	s5 =	simm.s32 $0xFFFFFFFF;
	p2 =	slt.u32 s8, $0xFFFFF086  }
0x1c: {  	p1 =	slt.u32 s9, $0xF7A;
	s5 =	simm.s32 @!p2 $0x0  }
0x1d: {  	s5 =	simm.s32 @p1 $0x1;
	p0 =	seq.s32 s7, s2  }
0x1e: {  	s7 =	smul.u32 @!p0 $0xF7A, s2;
	p2 =	seq.s32 @!p0 s5, $0x0  }
0x1f: {  	s9 =	smul.u32 $0xF7A, s1;
	s8 =	simm.s32 @!p0 $0x1BF5;
	p2 =	por !p2, p0  }
0x20: {  	[sflag:s8] =	ssyncset.s32 @!p0 $0xFFFFF086;
	s6 =	sadd.s32 @!p0 s3, s7;
	s7 =	simm.s32 @!p0 $0x108  }
0x21: {  	s3 =	sadd.s32 s3, s9;
	s6 =	sadd.s32 @!p0 $0x88, s6;
	s7 =	simm.s32 @p2 $0x1082  }
0x22: {  	[simem:s7], [sflag:s8] =	dma.local @!p0 [hbm:s6], $0xF7A  }
0x23: {  	s9 =	sor.u32 $0xD0000000, s2;
	s6 =	simm.s32 $0x108;
	_ =	swait.ge @!p0 [sflag:s8], $0x0  }
0x24: {  	s3 =	sadd.s32 $0x88, s3;
	s6 =	simm.s32 @!p1 $0x1082;
	[sflag:s4] =	ssyncset.s32 $0xFFFFF086  }
0x25: {  	[simem:s6], [sflag:s4] =	dma.local [hbm:s3], $0xF7A  }
0x26: {  	[smem:$0x3F9B] =	sst s1;
	(tag) =	ssettag s2;
	_ =	strace s9  }
0x27: {  	s1 =	sld [smem:$0x3FAB]  }
0x28: {  	s2 =	sld [smem:$0x3FAC]  }
0x29: {  	s4 =	sld [smem:$0x3FAE]  }
0x2a: {  	p0 =	seq.s32 s5, $0x0;
	s5 =	sld [smem:$0x3FAF]  }
0x2b: {  	s6 =	sld [smem:$0x3FB0]  }
0x2c: {  	s7 =	sld [smem:$0x3FB1]  }
0x2d: {  	s3 =	simm.s32 $0x108;
	s8 =	sld [smem:$0x3FB2]  }
0x2e: {  	s3 =	simm.s32 @!p0 $0x1082;
	s9 =	sld [smem:$0x3FB3]  }
0x2f: {  	lr =	sadd.s32 s0, s3;
	s0 =	sld [smem:$0x3FAA]  }
0x30: {  	s3 =	sld [smem:$0x3FAD]  }
0x31: {  	[smem:$0x3FB6] =	sst s10  }
0x32: {  	s10 =	sld [smem:$0x3FB4];
	_ =	sdelay $0x3  }
0x33: {  	p0 =	seq.s32 s10, $0x1;
	s10 =	sld [smem:$0x3FB6];
	_ =	sdelay $0x3  }
0x34: {  	[smem:$0x3FB6] =	sst s10  }
0x35: {  	s10 =	sld [smem:$0x3FB5];
	_ =	sdelay $0x3  }
0x36: {  	p1 =	seq.s32 s10, $0x1;
	s10 =	sld [smem:$0x3FB6];
	_ =	sdelay $0x3  }
0x37: {  	[smem:$0x3FB6] =	sst s10  }
0x38: {  	s10 =	sld [smem:$0x3FB7]  }
0x39: {  	_ = 	snop;
	(pc) =	sbr.ind lr, $3  }
0x3a: {  	_ = 	snop  }
0x3b: {  	_ = 	snop  }
0x3c: {  	p2 =	seq.s32 s10, $0x1;
	s10 =	sld [smem:$0x3FB6]  }
0x3d: {  	_ =	shalt  }
0x3e: {  	_ =	shalt  }
0x3f: {  	_ =	shalt  }
0x40: {  	_ =	shalt  }
0x41: {  	_ =	shalt  }
0x42: {  	_ =	shalt  }
0x43: {  	_ =	shalt  }
0x44: {  	_ =	shalt  }
0x45: {  	_ =	shalt  }
0x46: {  	_ =	shalt  }
0x47: {  	_ =	shalt  }
0x48: {  	_ =	shalt  }
0x49: {  	_ =	shalt  }
0x4a: {  	_ =	shalt  }
0x4b: {  	_ =	shalt  }
0x4c: {  	_ =	shalt  }
0x4d: {  	_ =	shalt  }
0x4e: {  	_ =	shalt  }
0x4f: {  	_ =	shalt  }
0x50: {  	_ =	shalt  }
0x51: {  	_ =	shalt  }
0x52: {  	_ =	shalt  }
0x53: {  	_ =	shalt  }
0x54: {  	_ =	shalt  }
0x55: {  	_ =	shalt  }
0x56: {  	_ =	shalt  }
0x57: {  	_ =	shalt  }
0x58: {  	_ =	shalt  }
0x59: {  	_ =	shalt  }
0x5a: {  	_ =	shalt  }
0x5b: {  	_ =	shalt  }
0x5c: {  	_ =	shalt  }
0x5d: {  	_ =	shalt  }
0x5e: {  	_ =	shalt  }
0x5f: {  	_ =	shalt  }
0x60: {  	_ =	shalt  }
0x61: {  	_ =	shalt  }
0x62: {  	_ =	shalt  }
0x63: {  	_ =	shalt  }
0x64: {  	_ =	shalt  }
0x65: {  	_ =	shalt  }
0x66: {  	_ =	shalt  }
0x67: {  	_ =	shalt  }
0x68: {  	_ =	shalt  }
0x69: {  	_ =	shalt  }
0x6a: {  	_ =	shalt  }
0x6b: {  	_ =	shalt  }
0x6c: {  	_ =	shalt  }
0x6d: {  	_ =	shalt  }
0x6e: {  	_ =	shalt  }
0x6f: {  	_ =	shalt  }
0x70: {  	_ =	shalt  }
0x71: {  	_ =	shalt  }
0x72: {  	_ =	shalt  }
0x73: {  	_ =	shalt  }
0x74: {  	_ =	shalt  }
0x75: {  	_ =	shalt  }
0x76: {  	_ =	shalt  }
0x77: {  	_ =	shalt  }
0x78: {  	_ =	shalt  }
0x79: {  	_ =	shalt  }
0x7a: {  	_ =	shalt  }
0x7b: {  	_ =	shalt  }
0x7c: {  	_ =	shalt  }
0x7d: {  	_ =	shalt  }
0x7e: {  	_ =	shalt  }
0x7f: {  	_ =	shalt  }
0x80: {  	_ =	shalt  }
0x81: {  	_ =	shalt  }
0x82: {  	_ =	shalt  }
0x83: {  	_ =	shalt  }
0x84: {  	_ =	shalt  }
0x85: {  	_ =	shalt  }
0x86: {  	_ =	shalt  }
0x87: {  	_ =	shalt  }
.Lfunc_end0:
.L_simem_size_0:
called_computation.1_lowered:
.L_overlay_start_0:
0x88: {  	s2 =	sld [smem:$0x3FD9]  }
0x89: {  	s3 =	sld [smem:$0x3FFE];
	_ =	sdelay $0x1  }
0x8a: {  	s1 =	srdreg.scid  }
0x8b: {  	s0 =	sand.u32 $0x1, s1  }
0x8c: {  	s14 =	sshll.u32 s0, $0xA;
	s2 =	sadd.s32 s3, s2  }
0x8d: {  	s2 =	sadd.s32 s2, s14  }
0x8e: {  	[smem:$0x3FC2] =	sst s2  }
0x8f: {  	_ = 	snop  }
0x90: {  	s2 =	sld [smem:$0x3FD0];
	_ =	sdelay $0x2  }
0x91: {  	s15 =	simm.s32 $0xA;
	s4 =	simm.s32 $0x10  }
0x92: {  	[smem:s4], [sflag:s15] =	dma.local [hbm:s2], $0x1  }
0x93: {  	_ =	swait.eq [sflag:s15], $0x1  }
0x94: {  	[sflag:s15] =	ssyncset.done $0x0  }
0x95: {  	[sflag:s15] =	ssyncadd.s32 $0xFFFFFFFF  }
0x96: {  	s16 =	sld [smem:$0x10];
	(tm) =	ssettm $0x1  }
0x97: {  	s17 =	sld [smem:$0x3FFB];
	_ =	sdelay $0x3  }
0x98: {  	_ =	strace s17  }
0x99: {  	s3 =	sld [smem:$0x3FFC];
	_ =	sdelay $0x3  }
0x9a: {  	_ =	strace s3  }
0x9b: {  	s3 =	sld [smem:$0x3FFD];
	_ =	sdelay $0x3  }
0x9c: {  	_ =	strace s3  }
0x9d: {  	_ =	strace $0x8FFFFFFF  }
0x9e: {  	s18 =	sld [smem:$0x3FDB];
	_ =	sdelay $0x1  }
0x9f: {  	s19 =	simm.s32 $_scs_section_size  }
0xa0: {  	s5 =	simm.s32 $_size__tile_overlayer_lowered;
	s6 =	simm.s32 $_tile_overlayer_lowered  }
0xa1: {  	s22 =	simm.s32 $0x1BFF;
	s21 =	sshll.u32 s6, $0x1;
	s3 =	sadd.s32 s19, s18  }
0xa2: {  	s7 =	simm.s32 $0x0;
	s20 =	sshll.u32 s5, $0x1;
	s5 =	sadd.s32 s21, s3  }
0xa3: {  	[timem:s7], [sflag:s22] =	dma.local [hbm:s5], s20  }
0xa4: {  	_ =	swait.ge [sflag:s22], s20  }
0xa5: {  	s4 =	ssub.s32 $0x0, s20;
	[sflag:s22] =	ssyncset.done $0x0  }
0xa6: {  	[sflag:s22] =	ssyncadd.s32 s4;
	_ =	sdelay $0x1  }
0xa7: {  	s23 =	simm.s32 $0x1B8B  }
0xa8: {  	_ =	swait.ge [sflag:s23], $0x1  }
0xa9: {  	[sflag:s23] =	ssyncset.done $0x0  }
0xaa: {  	s25 =	simm.s32 $0x1B8E;
	s24 =	sld [smem:$0x3FFE];
	[sflag:s23] =	ssyncadd.s32 $0xFFFFFFFF  }
0xab: {  	s26 =	simm.s32 $execute0_lowered;
	[smem:$0x3FD2] =	sst s25  }
0xac: {  	s5 =	sshll.u32 s26, $0x1;
	_ =	strace $0x80000049;
	[dreg:$0x1] =	wrdreg $0xFFFFFFFF  }
0xad: {  	s28 =	simm.s32 $_size_execute0_lowered;
	s3 =	sadd.s32 s3, s5;
	[dreg:$0x0] =	wrdreg $0x0  }
0xae: {  	s5 =	sshll.u32 s28, $0x1;
	[dreg:$0x2] =	wrdreg s3  }
0xaf: {  	[dreg:$0x3] =	wrdreg s5  }
0xb0: {  	[dreg:$0x4] =	wrdreg $0xC0  }
0xb1: {  	_ =	task [dreg:s7], $0x5FFFF  }
0xb2: {  	[dreg:$0x1] =	wrdreg $0xFFFFFFFF  }
0xb3: {  	[dreg:$0x0] =	wrdreg $0x60  }
0xb4: {  	[dreg:$0x2] =	wrdreg s24  }
0xb5: {  	[dreg:$0x3] =	wrdreg s16  }
0xb6: {  	[dreg:$0x4] =	wrdreg $0x9  }
0xb7: {  	_ =	task.clear_ibuf [dreg:s7], $0x5FFFF;
	_ =	strace $0x90000049  }
0xb8: {  	s29 =	simm.s32 $0x9;
	_ =	strace $0x8000004B  }
0xb9: {  	_ =	swait.ge [sflag:s29], $0x1  }
0xba: {  	[sflag:s29] =	ssyncadd.s32 $0xFFFFFFFF  }
0xbb: {  	_ =	strace $0x9000004B  }
0xbc: {  	_ =	sfence  }
0xbd: {  	s30 =	sld [smem:$0x0];
	_ =	sdelay $0x2  }
0xbe: {  	s31 =	sshll.u32 s1, $0xD;
	s1 =	sshrl.u32 s1, $0x2  }
0xbf: {  	s3 =	sand.u32 $0x4000, s31;
	s1 =	sadd.s32 s1, s30  }
0xc0: {  	s0 =	sor.u32 s3, s0;
	s1 =	sshll.u32 s1, $0x11  }
0xc1: {  	s0 =	sor.u32 s1, s0  }
0xc2: {  	s0 =	sadd.s32 $0x8F2B, s0  }
0xc3: {  	[sflag:s0] =	ssyncadd.remote.s32 $0x1  }
0xc4: {  	_ =	sfence.sel $0xFFFF  }
0xc5: {  	[dreg:$0x0] =	wrdreg $0xFFFFFFFF;
	(pc) =	sbr.abs _section_cstart, $3  }
0xc6: {  	[dreg:$0x1] =	wrdreg $0xFFFFFFFF  }
0xc7: {  	_ =	task.clear_ibuf [dreg:s7], $0x2FFFF;
	_ =	strace $0x9FFFFFFF  }
0xc8: {  	(tm) =	ssettm $0x7FFFFFFF  }
0xc9: {  	_ =	shalt  }
tec
execute0_lowered:
.L_overlay_start_1:
0x0: {  	(tag) =	ssettag $0x1  }
0x1: {  	s0 =	rddreg [dreg:$0x0]  }
0x2: {  	s5 =	rddreg [dreg:$0x1];
	s3 =	srdreg.scid  }
0x3: {  	s2 =	simm.s32 $0x0;
	s1 =	stileid.u32;
	s26 =	simm.s32 $0x880  }
0x4: {  	s10 =	simm.s32 $0x1880;
	s11 =	simm.s32 $0x2080;
	s12 =	simm.s32 $0x2880  }
0x5: {  	s13 =	simm.s32 $0x3080;
	s14 =	simm.s32 $0x3880;
	s15 =	simm.s32 $0x4080  }
0x6: {  	s16 =	simm.s32 $0x4880;
	s17 =	simm.s32 $0x5080;
	s18 =	simm.s32 $0x5880  }
0x7: {  	s19 =	simm.s32 $0x6080;
	s20 =	simm.s32 $0x6880;
	s21 =	simm.s32 $0x7080  }
0x8: {  	s22 =	simm.s32 $0x7880;
	s28 =	simm.s32 $0xA080;
	s29 =	simm.s32 $0xA880  }
0x9: {  	s30 =	simm.s32 $0xB080;
	s31 =	simm.s32 $0xB880;
	s3 =	sand.u32 $0x1, s3  }
0xa: {  	[smem:$0x7FF] =	sst s2;
	s4 =	sshll.u32 s1, $0x4;
	s6 =	sshll.u32 s3, $0x3  }
0xb: {  	_ =	strace $0x8000004A;
	s23 =	ssub.s32 $0x2, s3;
	s3 =	sadd.s32 $0x1000, s0  }
0xc: {  	[dreg:$0x5] =	wrdreg s26;
	s26 =	simm.s32 $0x9880;
	s4 =	sor.u32 s6, s4  }
0xd: {  	s8 =	sshrl.u32 s23, $0x1;
	s7 =	sadd.s32 s4, s0;
	s9 =	smul.u32 $0x300, s4  }
0xe: {  	s6 =	ssub.s32 s23, s8;
	s4 =	sadd.s32 $0x1100, s0;
	s8 =	simm.s32 $0x80  }
0xf: {  	s23 =	simm.s32 $0x8080;
	s24 =	sadd.s32 $0xE00, s7;
	s6 =	smax.u32 s6, $0x1  }
0x10: {  	v2 =	vlaneseq.u32;
	s7 =	simm.s32 $0x2;
	[dreg:$0x3] =	wrdreg s24;
	s25 =	sadd.s32 s5, s9  }
0x11: {  	vm0 =	vmmov $0xffff;
	v1 =	vshrl.u32 v2, $0x3;
	s5 =	sadd.s32 $0x1200, s0;
	s9 =	simm.s32 $0x1080;
	s24 =	simm.s32 $0x8880  }
0x12: {  	v0 =	vand.u32 $0x7, v2;
	v2 =	vor.u32 $0x8, v2;
	v1 =	vmul.u32 $0x8, v1;
	s0 =	simm.s32 $0x1;
	[dreg:$0x4] =	wrdreg s25;
	s25 =	simm.s32 $0x9080  }
.LBB2_1:
0x13: {  	s1 =	rddreg [dreg:$0x3]  }
0x14: {  	[tilespmem:s2], [sflag:$0x2] =	stream.linear.gather [hbm4b:s1+s2], $0x40, $0x38;
	[tilespmem:$0xC080] =	vst v63  }
0x15: {  	_ =	swait.ge [sflag:s7], $0x40  }
0x16: {  	[sflag:s7] =	ssyncset.done $0x0  }
0x17: {  	[sflag:s7] =	ssyncadd.s32 $0xFFFFFFC0  }
0x18: {  	v3 =	vld [tilespmem:$0x0];
	_ =	sdelay $0x4  }
0x19: {  	v4 =	vshrl.u32 v3, $0x3  }
0x1a: {  	v4 =	vmul.u32 $0x30, v4  }
0x1b: {  	v3 =	vand.u32 $0x7, v3  }
0x1c: {  	v3 =	vor.u32 v3, v4  }
0x1d: {  	v4 =	vperm.xlane v3, v0;
	_ =	sdelay $0x1  }
0x1e: {  	v4 =	vadd.s32 v1, v4;
	_ =	sdelay $0x3  }
0x1f: {  	v3 =	vperm.xlane v3, v2  }
0x20: {  	[tilespmem:s8], [sflag:$0x1] =	stream.indirect_vreg.gather [hbm4b:s3+s2], $0x80, v4, vm0, $0xb8;
	[tilespmem:$0xC080] =	vst v63  }
0x21: {  	s1 =	rddreg [dreg:$0x5];
	v3 =	vadd.s32 v1, v3  }
0x22: {  	[tilespmem:s1], [sflag:$0x1] =	stream.indirect_vreg.gather [hbm4b:s4+s2], $0x80, v4, vm0, $0xb8;
	[tilespmem:$0xC080] =	vst v63  }
0x23: {  	_ = 	snop  }
0x24: {  	[tilespmem:s9], [sflag:$0x1] =	stream.indirect_vreg.gather [hbm4b:s5+s2], $0x80, v4, vm0, $0xb8;
	[tilespmem:$0xC080] =	vst v63  }
0x25: {  	_ = 	snop  }
0x26: {  	[tilespmem:s10], [sflag:$0x1] =	stream.indirect_vreg.gather [hbm4b:s3+s2], $0x80, v3, vm0, $0xb8;
	[tilespmem:$0xC080] =	vst v63  }
0x27: {  	_ = 	snop  }
0x28: {  	[tilespmem:s11], [sflag:$0x1] =	stream.indirect_vreg.gather [hbm4b:s4+s2], $0x80, v3, vm0, $0xb8;
	[tilespmem:$0xC080] =	vst v63  }
0x29: {  	_ = 	snop  }
0x2a: {  	[tilespmem:s12], [sflag:$0x1] =	stream.indirect_vreg.gather [hbm4b:s5+s2], $0x80, v3, vm0, $0xb8;
	[tilespmem:$0xC080] =	vst v63  }
0x2b: {  	v3 =	vld [tilespmem:$0x10];
	_ =	sdelay $0x4  }
0x2c: {  	v61 =	vshrl.u32 v3, $0x3  }
0x2d: {  	v4 =	vmul.u32 $0x30, v61  }
0x2e: {  	v3 =	vand.u32 $0x7, v3  }
0x2f: {  	v3 =	vor.u32 v3, v4  }
0x30: {  	v4 =	vperm.xlane v3, v0;
	_ =	sdelay $0x1  }
0x31: {  	v4 =	vadd.s32 v1, v4;
	_ =	sdelay $0x3  }
0x32: {  	v3 =	vperm.xlane v3, v2  }
0x33: {  	[tilespmem:s13], [sflag:$0x1] =	stream.indirect_vreg.gather [hbm4b:s3+s2], $0x80, v4, vm0, $0xb8;
	[tilespmem:$0xC080] =	vst v63  }
0x34: {  	v3 =	vadd.s32 v1, v3  }
0x35: {  	[tilespmem:s14], [sflag:$0x1] =	stream.indirect_vreg.gather [hbm4b:s4+s2], $0x80, v4, vm0, $0xb8;
	[tilespmem:$0xC080] =	vst v63  }
0x36: {  	_ = 	snop  }
0x37: {  	[tilespmem:s15], [sflag:$0x1] =	stream.indirect_vreg.gather [hbm4b:s5+s2], $0x80, v4, vm0, $0xb8;
	[tilespmem:$0xC080] =	vst v63  }
0x38: {  	_ = 	snop  }
0x39: {  	[tilespmem:s16], [sflag:$0x1] =	stream.indirect_vreg.gather [hbm4b:s3+s2], $0x80, v3, vm0, $0xb8;
	[tilespmem:$0xC080] =	vst v63  }
0x3a: {  	_ = 	snop  }
0x3b: {  	[tilespmem:s17], [sflag:$0x1] =	stream.indirect_vreg.gather [hbm4b:s4+s2], $0x80, v3, vm0, $0xb8;
	[tilespmem:$0xC080] =	vst v63  }
0x3c: {  	_ = 	snop  }
0x3d: {  	[tilespmem:s18], [sflag:$0x1] =	stream.indirect_vreg.gather [hbm4b:s5+s2], $0x80, v3, vm0, $0xb8;
	[tilespmem:$0xC080] =	vst v63  }
0x3e: {  	v3 =	vld [tilespmem:$0x20];
	_ =	sdelay $0x4  }
0x3f: {  	v62 =	vshrl.u32 v3, $0x3  }
0x40: {  	v4 =	vmul.u32 $0x30, v62  }
0x41: {  	v3 =	vand.u32 $0x7, v3  }
0x42: {  	v3 =	vor.u32 v3, v4  }
0x43: {  	v4 =	vperm.xlane v3, v0;
	_ =	sdelay $0x1  }
0x44: {  	v4 =	vadd.s32 v1, v4;
	_ =	sdelay $0x3  }
0x45: {  	v3 =	vperm.xlane v3, v2  }
0x46: {  	[tilespmem:s19], [sflag:$0x1] =	stream.indirect_vreg.gather [hbm4b:s3+s2], $0x80, v4, vm0, $0xb8;
	[tilespmem:$0xC080] =	vst v63  }
0x47: {  	v3 =	vadd.s32 v1, v3  }
0x48: {  	[tilespmem:s20], [sflag:$0x1] =	stream.indirect_vreg.gather [hbm4b:s4+s2], $0x80, v4, vm0, $0xb8;
	[tilespmem:$0xC080] =	vst v63  }
0x49: {  	_ = 	snop  }
0x4a: {  	[tilespmem:s21], [sflag:$0x1] =	stream.indirect_vreg.gather [hbm4b:s5+s2], $0x80, v4, vm0, $0xb8;
	[tilespmem:$0xC080] =	vst v63  }
0x4b: {  	_ = 	snop  }
0x4c: {  	[tilespmem:s22], [sflag:$0x1] =	stream.indirect_vreg.gather [hbm4b:s3+s2], $0x80, v3, vm0, $0xb8;
	[tilespmem:$0xC080] =	vst v63  }
0x4d: {  	_ = 	snop  }
0x4e: {  	[tilespmem:s23], [sflag:$0x1] =	stream.indirect_vreg.gather [hbm4b:s4+s2], $0x80, v3, vm0, $0xb8;
	[tilespmem:$0xC080] =	vst v63  }
0x4f: {  	_ = 	snop  }
0x50: {  	[tilespmem:s24], [sflag:$0x1] =	stream.indirect_vreg.gather [hbm4b:s5+s2], $0x80, v3, vm0, $0xb8;
	[tilespmem:$0xC080] =	vst v63  }
0x51: {  	v3 =	vld [tilespmem:$0x30];
	_ =	sdelay $0x4  }
0x52: {  	v63 =	vshrl.u32 v3, $0x3  }
0x53: {  	v4 =	vmul.u32 $0x30, v63  }
0x54: {  	v3 =	vand.u32 $0x7, v3  }
0x55: {  	v3 =	vor.u32 v3, v4  }
0x56: {  	v4 =	vperm.xlane v3, v0;
	_ =	sdelay $0x1  }
0x57: {  	v4 =	vadd.s32 v1, v4;
	_ =	sdelay $0x3  }
0x58: {  	v3 =	vperm.xlane v3, v2  }
0x59: {  	[tilespmem:s25], [sflag:$0x1] =	stream.indirect_vreg.gather [hbm4b:s3+s2], $0x80, v4, vm0, $0xb8;
	[tilespmem:$0xC080] =	vst v63  }
0x5a: {  	v3 =	vadd.s32 v1, v3  }
0x5b: {  	[tilespmem:s26], [sflag:$0x1] =	stream.indirect_vreg.gather [hbm4b:s4+s2], $0x80, v4, vm0, $0xb8;
	[tilespmem:$0xC080] =	vst v63  }
0x5c: {  	_ = 	snop  }
0x5d: {  	[tilespmem:s28], [sflag:$0x1] =	stream.indirect_vreg.gather [hbm4b:s5+s2], $0x80, v4, vm0, $0xb8;
	[tilespmem:$0xC080] =	vst v63  }
0x5e: {  	_ = 	snop  }
0x5f: {  	[tilespmem:s29], [sflag:$0x1] =	stream.indirect_vreg.gather [hbm4b:s3+s2], $0x80, v3, vm0, $0xb8;
	[tilespmem:$0xC080] =	vst v63  }
0x60: {  	_ = 	snop  }
0x61: {  	[tilespmem:s30], [sflag:$0x1] =	stream.indirect_vreg.gather [hbm4b:s4+s2], $0x80, v3, vm0, $0xb8;
	[tilespmem:$0xC080] =	vst v63  }
0x62: {  	_ = 	snop  }
0x63: {  	[tilespmem:s31], [sflag:$0x1] =	stream.indirect_vreg.gather [hbm4b:s5+s2], $0x80, v3, vm0, $0xb8;
	[tilespmem:$0xC080] =	vst v63  }
0x64: {  	_ =	swait.ge [sflag:s0], $0xC000  }
0x65: {  	p0 =	sne.s32 s6, $0x1;
	[sflag:s0] =	ssyncset.done $0x0  }
.Ltmp0:
0x66: {  	s1 =	rddreg [dreg:$0x4];
	[sflag:s0] =	ssyncadd.s32 $0xFFFF4000;
	(pc) =	sbr.rel @p0 .LBB2_1-.Ltmp0, $4  }
0x67: {  	[hbm4b:s1+s2] =	stream.linear.scatter [tilespmem:s8], [sflag:$0x2], $0xC000, $0x38;
	[tilespmem:$0xC080] =	vst v63  }
0x68: {  	_ =	swait.ge [sflag:s7], $0xC000  }
0x69: {  	[sflag:s7] =	ssyncset.done $0x0  }
0x6a: {  	s6 =	sadd.s32 $0xFFFFFFFF, s6;
	[sflag:s7] =	ssyncadd.s32 $0xFFFF4000  }
0x6b: {  	_ =	sfence.sel $0x180000  }
0x6c: {  	[bflag:$0x0] =	sbarrier.arrive $0xFFFF  }
0x6d: {  	_ =	strace $0x9000004A  }
0x6e: {  	s0 =	stileid.u32;
	[bflag:$0x2] =	sbarrier.arrive $0xFFFF  }
0x6f: {  	p0 =	sne.s32 s0, $0x0;
	s0 =	rddreg [dreg:$0x2]  }
0x70: {  	s0 =	sadd.s32 @!p0 $0x100000, s0  }
0x71: {  	[sflag:s0] =	ssyncadd.tile.s32 @!p0 $0x1;
	_ =	shalt  }
.Lfunc_end2:
_tile_overlayer_lowered:
.L_overlay_start_2:
0x72: {  	(tag) =	ssettag $0x2  }
0x73: {  	s0 =	rddreg [dreg:$0x0];
	s2 =	stileid.u32  }
0x74: {  	s1 =	rddreg [dreg:$0x1];
	p0 =	sne.s32 s2, $0x0  }
0x75: {  	s3 =	rddreg [dreg:$0x2];
	[bflag:$0x3] =	sbarrier.arrive $0xFFFF;
	s2 =	simm.s32 @!p0 $0x1C02  }
0x76: {  	[timem:s3], [sflag:s2] =	dma.local @!p0 [hbm:s0], s1  }
0x77: {  	s0 =	simm.s32 @!p0 $0x2  }
0x78: {  	_ =	swait.ge @!p0 [sflag:s0], s1  }
0x79: {  	s1 =	ssub.s32 @!p0 $0x0, s1;
	[sflag:s0] =	ssyncset.done @!p0 $0x0  }
0x7a: {  	[sflag:s0] =	ssyncadd.s32 @!p0 s1  }
0x7b: {  	[bflag:$0x3] =	sbarrier.arrive $0xFFFF  }
0x7c: {  	_ =	shalt  }

// kernel: kernel.7.cloned.1.call-start
scs
__scs_entry_jumppad:
0x0: {  	(pc) =	sbr.rel $0x88, $3  }
0x1: {  	(tag) =	ssettag $0x0;
	lr =	simm.s32 $0x1  }
0x2: {  	[smem:$0x3F9B] =	sst lr;
	_ =	strace $0xD0000000  }
0x3: {  	_ = 	snop  }
0x4: {  	_ = 	snop  }
0x5: {  	_ = 	snop  }
0x6: {  	_ = 	snop  }
0x7: {  	_ = 	snop  }
__scs_overlays_trampoline_lowered:
0x8: {  	[smem:$0x3FAA] =	sst s0  }
0x9: {  	[smem:$0x3FAB] =	sst s1  }
0xa: {  	[smem:$0x3FAC] =	sst s2  }
0xb: {  	[smem:$0x3FAD] =	sst s3  }
0xc: {  	[smem:$0x3FAE] =	sst s4  }
0xd: {  	[smem:$0x3FAF] =	sst s5  }
0xe: {  	[smem:$0x3FB0] =	sst s6  }
0xf: {  	[smem:$0x3FB1] =	sst s7  }
0x10: {  	[smem:$0x3FB2] =	sst s8  }
0x11: {  	[smem:$0x3FB3] =	sst s9;
	s0 =	simm.s32 @!p0 $0x0  }
0x12: {  	s1 =	sld [smem:$0x3F99];
	s0 =	simm.s32 @p0 $0x1  }
0x13: {  	[smem:$0x3FB4] =	sst s0;
	s0 =	simm.s32 @!p1 $0x0  }
0x14: {  	s2 =	sld [smem:$0x3F98];
	s0 =	simm.s32 @p1 $0x1  }
0x15: {  	[smem:$0x3FB5] =	sst s0;
	s0 =	simm.s32 @!p2 $0x0  }
0x16: {  	s3 =	sld [smem:$0x3FDB];
	s0 =	simm.s32 @p2 $0x1  }
0x17: {  	s4 =	simm.s32 $0x1BF5;
	[smem:$0x3FB7] =	sst s0  }
0x18: {  	s0 =	sld [smem:$0x3F9A];
	_ =	swait.ge [sflag:s4], $0x0  }
0x19: {  	s7 =	sld [smem:$0x3F9B]  }
0x1a: {  	s8 =	sadd.s32 $0xFFFFE003, lr  }
0x1b: {  	s9 =	sadd.s32 $0xFFFFFEF7, lr;
	s5 =	simm.s32 $0xFFFFFFFF;
	p2 =	slt.u32 s8, $0xFFFFF086  }
0x1c: {  	p1 =	slt.u32 s9, $0xF7A;
	s5 =	simm.s32 @!p2 $0x0  }
0x1d: {  	s5 =	simm.s32 @p1 $0x1;
	p0 =	seq.s32 s7, s2  }
0x1e: {  	s7 =	smul.u32 @!p0 $0xF7A, s2;
	p2 =	seq.s32 @!p0 s5, $0x0  }
0x1f: {  	s9 =	smul.u32 $0xF7A, s1;
	s8 =	simm.s32 @!p0 $0x1BF5;
	p2 =	por !p2, p0  }
0x20: {  	[sflag:s8] =	ssyncset.s32 @!p0 $0xFFFFF086;
	s6 =	sadd.s32 @!p0 s3, s7;
	s7 =	simm.s32 @!p0 $0x108  }
0x21: {  	s3 =	sadd.s32 s3, s9;
	s6 =	sadd.s32 @!p0 $0x88, s6;
	s7 =	simm.s32 @p2 $0x1082  }
0x22: {  	[simem:s7], [sflag:s8] =	dma.local @!p0 [hbm:s6], $0xF7A  }
0x23: {  	s9 =	sor.u32 $0xD0000000, s2;
	s6 =	simm.s32 $0x108;
	_ =	swait.ge @!p0 [sflag:s8], $0x0  }
0x24: {  	s3 =	sadd.s32 $0x88, s3;
	s6 =	simm.s32 @!p1 $0x1082;
	[sflag:s4] =	ssyncset.s32 $0xFFFFF086  }
0x25: {  	[simem:s6], [sflag:s4] =	dma.local [hbm:s3], $0xF7A  }
0x26: {  	[smem:$0x3F9B] =	sst s1;
	(tag) =	ssettag s2;
	_ =	strace s9  }
0x27: {  	s1 =	sld [smem:$0x3FAB]  }
0x28: {  	s2 =	sld [smem:$0x3FAC]  }
0x29: {  	s4 =	sld [smem:$0x3FAE]  }
0x2a: {  	p0 =	seq.s32 s5, $0x0;
	s5 =	sld [smem:$0x3FAF]  }
0x2b: {  	s6 =	sld [smem:$0x3FB0]  }
0x2c: {  	s7 =	sld [smem:$0x3FB1]  }
0x2d: {  	s3 =	simm.s32 $0x108;
	s8 =	sld [smem:$0x3FB2]  }
0x2e: {  	s3 =	simm.s32 @!p0 $0x1082;
	s9 =	sld [smem:$0x3FB3]  }
0x2f: {  	lr =	sadd.s32 s0, s3;
	s0 =	sld [smem:$0x3FAA]  }
0x30: {  	s3 =	sld [smem:$0x3FAD]  }
0x31: {  	[smem:$0x3FB6] =	sst s10  }
0x32: {  	s10 =	sld [smem:$0x3FB4];
	_ =	sdelay $0x3  }
0x33: {  	p0 =	seq.s32 s10, $0x1;
	s10 =	sld [smem:$0x3FB6];
	_ =	sdelay $0x3  }
0x34: {  	[smem:$0x3FB6] =	sst s10  }
0x35: {  	s10 =	sld [smem:$0x3FB5];
	_ =	sdelay $0x3  }
0x36: {  	p1 =	seq.s32 s10, $0x1;
	s10 =	sld [smem:$0x3FB6];
	_ =	sdelay $0x3  }
0x37: {  	[smem:$0x3FB6] =	sst s10  }
0x38: {  	s10 =	sld [smem:$0x3FB7]  }
0x39: {  	_ = 	snop;
	(pc) =	sbr.ind lr, $3  }
0x3a: {  	_ = 	snop  }
0x3b: {  	_ = 	snop  }
0x3c: {  	p2 =	seq.s32 s10, $0x1;
	s10 =	sld [smem:$0x3FB6]  }
0x3d: {  	_ =	shalt  }
0x3e: {  	_ =	shalt  }
0x3f: {  	_ =	shalt  }
0x40: {  	_ =	shalt  }
0x41: {  	_ =	shalt  }
0x42: {  	_ =	shalt  }
0x43: {  	_ =	shalt  }
0x44: {  	_ =	shalt  }
0x45: {  	_ =	shalt  }
0x46: {  	_ =	shalt  }
0x47: {  	_ =	shalt  }
0x48: {  	_ =	shalt  }
0x49: {  	_ =	shalt  }
0x4a: {  	_ =	shalt  }
0x4b: {  	_ =	shalt  }
0x4c: {  	_ =	shalt  }
0x4d: {  	_ =	shalt  }
0x4e: {  	_ =	shalt  }
0x4f: {  	_ =	shalt  }
0x50: {  	_ =	shalt  }
0x51: {  	_ =	shalt  }
0x52: {  	_ =	shalt  }
0x53: {  	_ =	shalt  }
0x54: {  	_ =	shalt  }
0x55: {  	_ =	shalt  }
0x56: {  	_ =	shalt  }
0x57: {  	_ =	shalt  }
0x58: {  	_ =	shalt  }
0x59: {  	_ =	shalt  }
0x5a: {  	_ =	shalt  }
0x5b: {  	_ =	shalt  }
0x5c: {  	_ =	shalt  }
0x5d: {  	_ =	shalt  }
0x5e: {  	_ =	shalt  }
0x5f: {  	_ =	shalt  }
0x60: {  	_ =	shalt  }
0x61: {  	_ =	shalt  }
0x62: {  	_ =	shalt  }
0x63: {  	_ =	shalt  }
0x64: {  	_ =	shalt  }
0x65: {  	_ =	shalt  }
0x66: {  	_ =	shalt  }
0x67: {  	_ =	shalt  }
0x68: {  	_ =	shalt  }
0x69: {  	_ =	shalt  }
0x6a: {  	_ =	shalt  }
0x6b: {  	_ =	shalt  }
0x6c: {  	_ =	shalt  }
0x6d: {  	_ =	shalt  }
0x6e: {  	_ =	shalt  }
0x6f: {  	_ =	shalt  }
0x70: {  	_ =	shalt  }
0x71: {  	_ =	shalt  }
0x72: {  	_ =	shalt  }
0x73: {  	_ =	shalt  }
0x74: {  	_ =	shalt  }
0x75: {  	_ =	shalt  }
0x76: {  	_ =	shalt  }
0x77: {  	_ =	shalt  }
0x78: {  	_ =	shalt  }
0x79: {  	_ =	shalt  }
0x7a: {  	_ =	shalt  }
0x7b: {  	_ =	shalt  }
0x7c: {  	_ =	shalt  }
0x7d: {  	_ =	shalt  }
0x7e: {  	_ =	shalt  }
0x7f: {  	_ =	shalt  }
0x80: {  	_ =	shalt  }
0x81: {  	_ =	shalt  }
0x82: {  	_ =	shalt  }
0x83: {  	_ =	shalt  }
0x84: {  	_ =	shalt  }
0x85: {  	_ =	shalt  }
0x86: {  	_ =	shalt  }
0x87: {  	_ =	shalt  }
.Lfunc_end0:
.L_simem_size_0:
called_computation_lowered:
.L_overlay_start_0:
0x88: {  	s2 =	sld [smem:$0x3FD9]  }
0x89: {  	s3 =	sld [smem:$0x3FFE];
	_ =	sdelay $0x1  }
0x8a: {  	s1 =	srdreg.scid  }
0x8b: {  	s0 =	sand.u32 $0x1, s1  }
0x8c: {  	s15 =	sshll.u32 s0, $0xA;
	s2 =	sadd.s32 s3, s2  }
0x8d: {  	s2 =	sadd.s32 s2, s15  }
0x8e: {  	[smem:$0x3FC2] =	sst s2  }
0x8f: {  	_ = 	snop  }
0x90: {  	s2 =	sld [smem:$0x3FD0];
	_ =	sdelay $0x2  }
0x91: {  	s4 =	simm.s32 $0xA;
	s5 =	simm.s32 $0x10;
	s16 =	sld [smem:$0x3FC9]  }
0x92: {  	[smem:s5], [sflag:s4] =	dma.local [hbm:s2], $0x1  }
0x93: {  	_ =	swait.eq [sflag:s4], $0x1  }
0x94: {  	[sflag:s4] =	ssyncset.done $0x0  }
0x95: {  	s17 =	sld [smem:$0x10];
	[sflag:s4] =	ssyncadd.s32 $0xFFFFFFFF  }
0x96: {  	s18 =	sld [smem:$0x11];
	(tm) =	ssettm $0x1  }
0x97: {  	s19 =	sld [smem:$0x3FFB];
	_ =	sdelay $0x3  }
0x98: {  	_ =	strace s19  }
0x99: {  	s5 =	sld [smem:$0x3FFC];
	_ =	sdelay $0x3  }
0x9a: {  	_ =	strace s5  }
0x9b: {  	s5 =	sld [smem:$0x3FFD];
	_ =	sdelay $0x3  }
0x9c: {  	_ =	strace s5  }
0x9d: {  	_ =	strace $0x8FFFFFFF  }
0x9e: {  	s20 =	sld [smem:$0x3FDB];
	_ =	sdelay $0x1  }
0x9f: {  	s6 =	simm.s32 $_scs_section_size  }
0xa0: {  	s7 =	simm.s32 $_size__tile_overlayer_lowered;
	s8 =	simm.s32 $_tile_overlayer_lowered  }
0xa1: {  	s23 =	simm.s32 $0x1BFF;
	s22 =	sshll.u32 s8, $0x1;
	s5 =	sadd.s32 s6, s20  }
0xa2: {  	s9 =	simm.s32 $0x0;
	s21 =	sshll.u32 s7, $0x1;
	s7 =	sadd.s32 s22, s5  }
0xa3: {  	[timem:s9], [sflag:s23] =	dma.local [hbm:s7], s21  }
0xa4: {  	_ =	swait.ge [sflag:s23], s21  }
0xa5: {  	s6 =	ssub.s32 $0x0, s21;
	[sflag:s23] =	ssyncset.done $0x0  }
0xa6: {  	[sflag:s23] =	ssyncadd.s32 s6;
	_ =	sdelay $0x1  }
0xa7: {  	s24 =	simm.s32 $0x1B8B  }
0xa8: {  	_ =	swait.ge [sflag:s24], $0x1  }
0xa9: {  	[sflag:s24] =	ssyncset.done $0x0  }
0xaa: {  	s25 =	simm.s32 $0x1B8E;
	[sflag:s24] =	ssyncadd.s32 $0xFFFFFFFF  }
0xab: {  	s26 =	simm.s32 $execute0_lowered;
	[smem:$0x3FD2] =	sst s25  }
0xac: {  	s6 =	sshll.u32 s26, $0x1;
	_ =	strace $0x80000046;
	[dreg:$0x1] =	wrdreg $0xFFFFFFFF  }
0xad: {  	s28 =	simm.s32 $_size_execute0_lowered;
	s5 =	sadd.s32 s5, s6;
	[dreg:$0x0] =	wrdreg $0x0  }
0xae: {  	s6 =	sshll.u32 s28, $0x1;
	[dreg:$0x2] =	wrdreg s5  }
0xaf: {  	[dreg:$0x3] =	wrdreg s6  }
0xb0: {  	[dreg:$0x4] =	wrdreg $0xC0  }
0xb1: {  	_ =	task [dreg:s9], $0x5FFFF  }
0xb2: {  	[dreg:$0x1] =	wrdreg $0xFFFFFFFF  }
0xb3: {  	[dreg:$0x0] =	wrdreg $0x60  }
0xb4: {  	[dreg:$0x2] =	wrdreg s16  }
0xb5: {  	[dreg:$0x3] =	wrdreg s18  }
0xb6: {  	[dreg:$0x4] =	wrdreg s17  }
0xb7: {  	[dreg:$0x5] =	wrdreg $0x9  }
0xb8: {  	_ =	task.clear_ibuf [dreg:s9], $0x6FFFF;
	_ =	strace $0x90000046  }
0xb9: {  	s29 =	simm.s32 $0x9;
	_ =	strace $0x80000048  }
0xba: {  	_ =	swait.ge [sflag:s29], $0x1  }
0xbb: {  	[sflag:s29] =	ssyncadd.s32 $0xFFFFFFFF  }
0xbc: {  	_ =	strace $0x90000048  }
0xbd: {  	_ =	sfence  }
0xbe: {  	s30 =	sld [smem:$0x0];
	_ =	sdelay $0x2  }
0xbf: {  	s31 =	sshll.u32 s1, $0xD;
	s1 =	sshrl.u32 s1, $0x2  }
0xc0: {  	s3 =	sand.u32 $0x4000, s31;
	s1 =	sadd.s32 s1, s30  }
0xc1: {  	s0 =	sor.u32 s3, s0;
	s1 =	sshll.u32 s1, $0x11  }
0xc2: {  	s0 =	sor.u32 s1, s0  }
0xc3: {  	s0 =	sadd.s32 $0x8F2B, s0  }
0xc4: {  	[sflag:s0] =	ssyncadd.remote.s32 $0x1  }
0xc5: {  	_ =	sfence.sel $0xFFFF  }
0xc6: {  	[dreg:$0x0] =	wrdreg $0xFFFFFFFF;
	(pc) =	sbr.abs _section_cstart, $3  }
0xc7: {  	[dreg:$0x1] =	wrdreg $0xFFFFFFFF  }
0xc8: {  	_ =	task.clear_ibuf [dreg:s9], $0x2FFFF;
	_ =	strace $0x9FFFFFFF  }
0xc9: {  	(tm) =	ssettm $0x7FFFFFFF  }
tec
execute0_lowered:
.L_overlay_start_1:
0x0: {  	(tag) =	ssettag $0x1  }
0x1: {  	s2 =	rddreg [dreg:$0x0]  }
0x2: {  	s0 =	rddreg [dreg:$0x1];
	s3 =	srdreg.scid  }
0x3: {  	s5 =	rddreg [dreg:$0x2];
	s1 =	stileid.u32  }
0x4: {  	s26 =	simm.s32 $0x880;
	s9 =	simm.s32 $0x1080;
	s10 =	simm.s32 $0x1880  }
0x5: {  	s11 =	simm.s32 $0x2080;
	s12 =	simm.s32 $0x2880;
	s13 =	simm.s32 $0x3080  }
0x6: {  	s14 =	simm.s32 $0x3880;
	s15 =	simm.s32 $0x4080;
	s16 =	simm.s32 $0x4880  }
0x7: {  	s17 =	simm.s32 $0x5080;
	s18 =	simm.s32 $0x5880;
	s19 =	simm.s32 $0x6080  }
0x8: {  	s20 =	simm.s32 $0x6880;
	s21 =	simm.s32 $0x7080;
	s22 =	simm.s32 $0x7880  }
0x9: {  	s23 =	simm.s32 $0x8080;
	s28 =	simm.s32 $0xA080;
	s29 =	simm.s32 $0xA880  }
0xa: {  	s30 =	simm.s32 $0xB080;
	s31 =	simm.s32 $0xB880;
	s4 =	sand.u32 $0x1, s3  }
0xb: {  	s6 =	sshll.u32 s1, $0x4;
	s3 =	simm.s32 $0x0;
	s7 =	sshll.u32 s4, $0x3  }
0xc: {  	s4 =	ssub.s32 $0x2, s4;
	[smem:$0x7FF] =	sst s3;
	s6 =	sor.u32 s7, s6  }
0xd: {  	s24 =	sshrl.u32 s4, $0x1;
	_ =	strace $0x80000047;
	[dreg:$0x6] =	wrdreg s26  }
0xe: {  	s26 =	simm.s32 $0x9880;
	s8 =	smul.u32 $0x300, s6;
	s7 =	ssub.s32 s4, s24  }
0xf: {  	s0 =	sadd.s32 s0, s6;
	s4 =	sadd.s32 $0x100, s2;
	s24 =	simm.s32 $0x8880  }
0x10: {  	v2 =	vlaneseq.u32;
	[dreg:$0x4] =	wrdreg s0;
	s6 =	smax.u32 s7, $0x1;
	s7 =	simm.s32 $0x2  }
0x11: {  	vm0 =	vmmov $0xffff;
	v1 =	vshrl.u32 v2, $0x3;
	s0 =	simm.s32 $0x1;
	s25 =	sadd.s32 s5, s8;
	s5 =	sadd.s32 $0x200, s2  }
0x12: {  	v0 =	vand.u32 $0x7, v2;
	v2 =	vor.u32 $0x8, v2;
	v1 =	vmul.u32 $0x8, v1;
	s8 =	simm.s32 $0x80;
	[dreg:$0x5] =	wrdreg s25;
	s25 =	simm.s32 $0x9080  }
.LBB2_1:
0x13: {  	s1 =	rddreg [dreg:$0x4]  }
0x14: {  	[tilespmem:s3], [sflag:$0x2] =	stream.linear.gather [hbm4b:s1+s3], $0x40, $0x38;
	[tilespmem:$0xC080] =	vst v63  }
0x15: {  	_ =	swait.ge [sflag:s7], $0x40  }
0x16: {  	[sflag:s7] =	ssyncset.done $0x0  }
0x17: {  	[sflag:s7] =	ssyncadd.s32 $0xFFFFFFC0  }
0x18: {  	v3 =	vld [tilespmem:$0x0];
	_ =	sdelay $0x4  }
0x19: {  	v4 =	vshrl.u32 v3, $0x3  }
0x1a: {  	v4 =	vmul.u32 $0x30, v4  }
0x1b: {  	v3 =	vand.u32 $0x7, v3  }
0x1c: {  	v3 =	vor.u32 v3, v4  }
0x1d: {  	v4 =	vperm.xlane v3, v0;
	_ =	sdelay $0x1  }
0x1e: {  	v4 =	vadd.s32 v1, v4;
	_ =	sdelay $0x3  }
0x1f: {  	v3 =	vperm.xlane v3, v2  }
0x20: {  	[tilespmem:s8], [sflag:$0x1] =	stream.indirect_vreg.gather [hbm4b:s2+s3], $0x80, v4, vm0, $0xb8;
	[tilespmem:$0xC080] =	vst v63  }
0x21: {  	s1 =	rddreg [dreg:$0x6];
	v3 =	vadd.s32 v1, v3  }
0x22: {  	[tilespmem:s1], [sflag:$0x1] =	stream.indirect_vreg.gather [hbm4b:s4+s3], $0x80, v4, vm0, $0xb8;
	[tilespmem:$0xC080] =	vst v63  }
0x23: {  	_ = 	snop  }
0x24: {  	[tilespmem:s9], [sflag:$0x1] =	stream.indirect_vreg.gather [hbm4b:s5+s3], $0x80, v4, vm0, $0xb8;
	[tilespmem:$0xC080] =	vst v63  }
0x25: {  	_ = 	snop  }
0x26: {  	[tilespmem:s10], [sflag:$0x1] =	stream.indirect_vreg.gather [hbm4b:s2+s3], $0x80, v3, vm0, $0xb8;
	[tilespmem:$0xC080] =	vst v63  }
0x27: {  	_ = 	snop  }
0x28: {  	[tilespmem:s11], [sflag:$0x1] =	stream.indirect_vreg.gather [hbm4b:s4+s3], $0x80, v3, vm0, $0xb8;
	[tilespmem:$0xC080] =	vst v63  }
0x29: {  	_ = 	snop  }
0x2a: {  	[tilespmem:s12], [sflag:$0x1] =	stream.indirect_vreg.gather [hbm4b:s5+s3], $0x80, v3, vm0, $0xb8;
	[tilespmem:$0xC080] =	vst v63  }
0x2b: {  	v3 =	vld [tilespmem:$0x10];
	_ =	sdelay $0x4  }
0x2c: {  	v61 =	vshrl.u32 v3, $0x3  }
0x2d: {  	v4 =	vmul.u32 $0x30, v61  }
0x2e: {  	v3 =	vand.u32 $0x7, v3  }
0x2f: {  	v3 =	vor.u32 v3, v4  }
0x30: {  	v4 =	vperm.xlane v3, v0;
	_ =	sdelay $0x1  }
0x31: {  	v4 =	vadd.s32 v1, v4;
	_ =	sdelay $0x3  }
0x32: {  	v3 =	vperm.xlane v3, v2  }
0x33: {  	[tilespmem:s13], [sflag:$0x1] =	stream.indirect_vreg.gather [hbm4b:s2+s3], $0x80, v4, vm0, $0xb8;
	[tilespmem:$0xC080] =	vst v63  }
0x34: {  	v3 =	vadd.s32 v1, v3  }
0x35: {  	[tilespmem:s14], [sflag:$0x1] =	stream.indirect_vreg.gather [hbm4b:s4+s3], $0x80, v4, vm0, $0xb8;
	[tilespmem:$0xC080] =	vst v63  }
0x36: {  	_ = 	snop  }
0x37: {  	[tilespmem:s15], [sflag:$0x1] =	stream.indirect_vreg.gather [hbm4b:s5+s3], $0x80, v4, vm0, $0xb8;
	[tilespmem:$0xC080] =	vst v63  }
0x38: {  	_ = 	snop  }
0x39: {  	[tilespmem:s16], [sflag:$0x1] =	stream.indirect_vreg.gather [hbm4b:s2+s3], $0x80, v3, vm0, $0xb8;
	[tilespmem:$0xC080] =	vst v63  }
0x3a: {  	_ = 	snop  }
0x3b: {  	[tilespmem:s17], [sflag:$0x1] =	stream.indirect_vreg.gather [hbm4b:s4+s3], $0x80, v3, vm0, $0xb8;
	[tilespmem:$0xC080] =	vst v63  }
0x3c: {  	_ = 	snop  }
0x3d: {  	[tilespmem:s18], [sflag:$0x1] =	stream.indirect_vreg.gather [hbm4b:s5+s3], $0x80, v3, vm0, $0xb8;
	[tilespmem:$0xC080] =	vst v63  }
0x3e: {  	v3 =	vld [tilespmem:$0x20];
	_ =	sdelay $0x4  }
0x3f: {  	v62 =	vshrl.u32 v3, $0x3  }
0x40: {  	v4 =	vmul.u32 $0x30, v62  }
0x41: {  	v3 =	vand.u32 $0x7, v3  }
0x42: {  	v3 =	vor.u32 v3, v4  }
0x43: {  	v4 =	vperm.xlane v3, v0;
	_ =	sdelay $0x1  }
0x44: {  	v4 =	vadd.s32 v1, v4;
	_ =	sdelay $0x3  }
0x45: {  	v3 =	vperm.xlane v3, v2  }
0x46: {  	[tilespmem:s19], [sflag:$0x1] =	stream.indirect_vreg.gather [hbm4b:s2+s3], $0x80, v4, vm0, $0xb8;
	[tilespmem:$0xC080] =	vst v63  }
0x47: {  	v3 =	vadd.s32 v1, v3  }
0x48: {  	[tilespmem:s20], [sflag:$0x1] =	stream.indirect_vreg.gather [hbm4b:s4+s3], $0x80, v4, vm0, $0xb8;
	[tilespmem:$0xC080] =	vst v63  }
0x49: {  	_ = 	snop  }
0x4a: {  	[tilespmem:s21], [sflag:$0x1] =	stream.indirect_vreg.gather [hbm4b:s5+s3], $0x80, v4, vm0, $0xb8;
	[tilespmem:$0xC080] =	vst v63  }
0x4b: {  	_ = 	snop  }
0x4c: {  	[tilespmem:s22], [sflag:$0x1] =	stream.indirect_vreg.gather [hbm4b:s2+s3], $0x80, v3, vm0, $0xb8;
	[tilespmem:$0xC080] =	vst v63  }
0x4d: {  	_ = 	snop  }
0x4e: {  	[tilespmem:s23], [sflag:$0x1] =	stream.indirect_vreg.gather [hbm4b:s4+s3], $0x80, v3, vm0, $0xb8;
	[tilespmem:$0xC080] =	vst v63  }
0x4f: {  	_ = 	snop  }
0x50: {  	[tilespmem:s24], [sflag:$0x1] =	stream.indirect_vreg.gather [hbm4b:s5+s3], $0x80, v3, vm0, $0xb8;
	[tilespmem:$0xC080] =	vst v63  }
0x51: {  	v3 =	vld [tilespmem:$0x30];
	_ =	sdelay $0x4  }
0x52: {  	v63 =	vshrl.u32 v3, $0x3  }
0x53: {  	v4 =	vmul.u32 $0x30, v63  }
0x54: {  	v3 =	vand.u32 $0x7, v3  }
0x55: {  	v3 =	vor.u32 v3, v4  }
0x56: {  	v4 =	vperm.xlane v3, v0;
	_ =	sdelay $0x1  }
0x57: {  	v4 =	vadd.s32 v1, v4;
	_ =	sdelay $0x3  }
0x58: {  	v3 =	vperm.xlane v3, v2  }
0x59: {  	[tilespmem:s25], [sflag:$0x1] =	stream.indirect_vreg.gather [hbm4b:s2+s3], $0x80, v4, vm0, $0xb8;
	[tilespmem:$0xC080] =	vst v63  }
0x5a: {  	v3 =	vadd.s32 v1, v3  }
0x5b: {  	[tilespmem:s26], [sflag:$0x1] =	stream.indirect_vreg.gather [hbm4b:s4+s3], $0x80, v4, vm0, $0xb8;
	[tilespmem:$0xC080] =	vst v63  }
0x5c: {  	_ = 	snop  }
0x5d: {  	[tilespmem:s28], [sflag:$0x1] =	stream.indirect_vreg.gather [hbm4b:s5+s3], $0x80, v4, vm0, $0xb8;
	[tilespmem:$0xC080] =	vst v63  }
0x5e: {  	_ = 	snop  }
0x5f: {  	[tilespmem:s29], [sflag:$0x1] =	stream.indirect_vreg.gather [hbm4b:s2+s3], $0x80, v3, vm0, $0xb8;
	[tilespmem:$0xC080] =	vst v63  }
0x60: {  	_ = 	snop  }
0x61: {  	[tilespmem:s30], [sflag:$0x1] =	stream.indirect_vreg.gather [hbm4b:s4+s3], $0x80, v3, vm0, $0xb8;
	[tilespmem:$0xC080] =	vst v63  }
0x62: {  	_ = 	snop  }
0x63: {  	[tilespmem:s31], [sflag:$0x1] =	stream.indirect_vreg.gather [hbm4b:s5+s3], $0x80, v3, vm0, $0xb8;
	[tilespmem:$0xC080] =	vst v63  }
0x64: {  	_ =	swait.ge [sflag:s0], $0xC000  }
0x65: {  	p0 =	sne.s32 s6, $0x1;
	[sflag:s0] =	ssyncset.done $0x0  }
.Ltmp0:
0x66: {  	s1 =	rddreg [dreg:$0x5];
	[sflag:s0] =	ssyncadd.s32 $0xFFFF4000;
	(pc) =	sbr.rel @p0 .LBB2_1-.Ltmp0, $4  }
0x67: {  	[hbm4b:s1+s3] =	stream.linear.scatter [tilespmem:s8], [sflag:$0x2], $0xC000, $0x38;
	[tilespmem:$0xC080] =	vst v63  }
0x68: {  	_ =	swait.ge [sflag:s7], $0xC000  }
0x69: {  	[sflag:s7] =	ssyncset.done $0x0  }
0x6a: {  	s6 =	sadd.s32 $0xFFFFFFFF, s6;
	[sflag:s7] =	ssyncadd.s32 $0xFFFF4000  }
0x6b: {  	_ =	sfence.sel $0x180000  }
0x6c: {  	[bflag:$0x0] =	sbarrier.arrive $0xFFFF  }
0x6d: {  	_ =	strace $0x90000047  }
0x6e: {  	s0 =	stileid.u32;
	[bflag:$0x2] =	sbarrier.arrive $0xFFFF  }
0x6f: {  	p0 =	sne.s32 s0, $0x0;
	s0 =	rddreg [dreg:$0x3]  }
0x70: {  	s0 =	sadd.s32 @!p0 $0x100000, s0  }
0x71: {  	[sflag:s0] =	ssyncadd.tile.s32 @!p0 $0x1;
	_ =	shalt  }
.Lfunc_end2:
_tile_overlayer_lowered:
.L_overlay_start_2:
0x72: {  	(tag) =	ssettag $0x2  }
0x73: {  	s0 =	rddreg [dreg:$0x0];
	s2 =	stileid.u32  }
0x74: {  	s1 =	rddreg [dreg:$0x1];
	p0 =	sne.s32 s2, $0x0  }
0x75: {  	s3 =	rddreg [dreg:$0x2];
	[bflag:$0x3] =	sbarrier.arrive $0xFFFF;
	s2 =	simm.s32 @!p0 $0x1C02  }
0x76: {  	[timem:s3], [sflag:s2] =	dma.local @!p0 [hbm:s0], s1  }
0x77: {  	s0 =	simm.s32 @!p0 $0x2  }
0x78: {  	_ =	swait.ge @!p0 [sflag:s0], s1  }
0x79: {  	s1 =	ssub.s32 @!p0 $0x0, s1;
	[sflag:s0] =	ssyncset.done @!p0 $0x0  }
0x7a: {  	[sflag:s0] =	ssyncadd.s32 @!p0 s1  }
0x7b: {  	[bflag:$0x3] =	sbarrier.arrive $0xFFFF  }
0x7c: {  	_ =	shalt  }

</sc_bundles>
